<compile_context>
chip_gen: v7x
topology: tpu7x:2x2x1
jax: 0.10.2.dev20260603
libtpu: 0.0.44.dev20260713+nightly
codegen_flags: <defaults>
</compile_context>

<pallas_src>
import functools

import jax
import jax.numpy as jnp
import numpy as np
from jax import lax
from jax.experimental import pallas as pl
from jax.experimental.pallas import tpu as pltpu
from jax.experimental.pallas import tpu_sc as plsc

N = 10000
E = 320000
DF = 128
DH = 16
NPAD = 10112
NPK = NPAD // 8
NCORES = 2
NSUB = 16
NW = NCORES * NSUB
CHUNK = 80
GRP = 5
CPT = 125
RPT = NPAD // NSUB

_MESH = plsc.VectorSubcoreMesh(core_axis_name="c", subcore_axis_name="s")

_SEG = np.kron(np.eye(8, dtype=np.float32), np.ones((DH, DH), np.float32))

DHD = 8
_EXA = np.zeros((DF, DF), np.float32)
_EXB = np.zeros((DF, DF), np.float32)
for _k in range(8):
    _EXA[DHD * _k, DH * _k:DH * (_k + 1)] = 1.0
    _EXB[DHD * (_k + 8), DH * _k:DH * (_k + 1)] = 1.0


@functools.partial(
    pl.kernel,
    mesh=_MESH,
    out_type=jax.ShapeDtypeStruct((NCORES, NPAD, DHD), jnp.float32),
    scratch_types=[
        pltpu.VMEM((CPT * CHUNK,), jnp.int32),
        pltpu.VMEM((CHUNK, DHD), jnp.float32),
        pltpu.VMEM_SHARED((NPAD, DHD), jnp.float32),
        pltpu.SemaphoreType.DMA,
    ],
    compiler_params=pltpu.CompilerParams(use_tc_tiling_on_sc=False),
)
def _deg_sc(eidx, ones_hbm, zrows, out, cv, onesv, acc, ssem):
    c = lax.axis_index("c")
    s = lax.axis_index("s")
    w = c * NSUB + s
    pltpu.sync_copy(zrows.at[pl.ds(s * RPT, RPT)], acc.at[pl.ds(s * RPT, RPT)])
    pltpu.sync_copy(eidx.at[1, pl.ds(w * CPT * CHUNK, CPT * CHUNK)], cv)
    pltpu.sync_copy(ones_hbm, onesv)
    plsc.subcore_barrier()

    def body(j, carry):
        pltpu.async_copy(
            onesv, acc.at[cv.at[pl.ds(j * CHUNK, CHUNK)]], ssem, add=True)
        return carry

    lax.fori_loop(0, CPT, body, 0)

    def drain(j, carry):
        pltpu.make_async_copy(
            onesv, acc.at[cv.at[pl.ds(0, CHUNK)]], ssem).wait()
        return carry

    lax.fori_loop(0, CPT, drain, 0)
    plsc.subcore_barrier()
    pltpu.sync_copy(
        acc.at[pl.ds(s * RPT, RPT)], out.at[c, pl.ds(s * RPT, RPT)]
    )


@functools.partial(
    pl.kernel,
    mesh=_MESH,
    out_type=jax.ShapeDtypeStruct((NCORES, NPAD, DH), jnp.float32),
    scratch_types=[
        pltpu.VMEM((CPT * CHUNK,), jnp.int32),
        pltpu.VMEM((CPT * CHUNK,), jnp.int32),
        [pltpu.VMEM((CHUNK, DH), jnp.float32) for _ in range(GRP)],
        [pltpu.SemaphoreType.DMA for _ in range(GRP)],
        [pltpu.SemaphoreType.DMA for _ in range(GRP)],
        pltpu.VMEM_SHARED((NPAD, DH), jnp.float32),
        pltpu.VMEM_SHARED((NPAD, DH), jnp.float32),
    ],
    compiler_params=pltpu.CompilerParams(use_tc_tiling_on_sc=False),
)
def _prop_sc(ys, eidx, zrows, out, rv, cv, gbufs, sems, ssems, acc, ys_sh):
    c = lax.axis_index("c")
    s = lax.axis_index("s")
    w = c * NSUB + s
    pltpu.sync_copy(zrows.at[pl.ds(s * RPT, RPT)], acc.at[pl.ds(s * RPT, RPT)])
    pltpu.sync_copy(ys.at[pl.ds(s * RPT, RPT)], ys_sh.at[pl.ds(s * RPT, RPT)])
    pltpu.sync_copy(eidx.at[0, pl.ds(w * CPT * CHUNK, CPT * CHUNK)], rv)
    pltpu.sync_copy(eidx.at[1, pl.ds(w * CPT * CHUNK, CPT * CHUNK)], cv)
    plsc.subcore_barrier()

    def body(i, carry):
        base = i * GRP * CHUNK

        @pl.when(i > 0)
        def _():
            for b in range(GRP):
                pltpu.make_async_copy(
                    gbufs[b], acc.at[cv.at[pl.ds(0, CHUNK)]], ssems[b]).wait()

        cps = [
            pltpu.async_copy(
                ys_sh.at[rv.at[pl.ds(base + b * CHUNK, CHUNK)]],
                gbufs[b], sems[b])
            for b in range(GRP)
        ]
        for b in range(GRP):
            cps[b].wait()
            pltpu.async_copy(
                gbufs[b], acc.at[cv.at[pl.ds(base + b * CHUNK, CHUNK)]],
                ssems[b], add=True)
        return carry

    lax.fori_loop(0, CPT // GRP, body, 0)
    for b in range(GRP):
        pltpu.make_async_copy(
            gbufs[b], acc.at[cv.at[pl.ds(0, CHUNK)]], ssems[b]).wait()
    plsc.subcore_barrier()
    pltpu.sync_copy(
        acc.at[pl.ds(s * RPT, RPT)], out.at[c, pl.ds(s * RPT, RPT)]
    )


def _tc1_body(x_ref, wd_ref, dega_ref, exa_ref, exb_ref,
              xw0_ref, ys1_ref, dis_ref):
    deg8 = dega_ref[0] + dega_ref[1]
    dis8 = jnp.where(deg8 > 0.0, lax.rsqrt(deg8), 0.0)
    ev = jnp.dot(dis8, exa_ref[...], preferred_element_type=jnp.float32)
    od = jnp.dot(dis8, exb_ref[...], preferred_element_type=jnp.float32)
    dis = jnp.concatenate([ev[:, None, :], od[:, None, :]], axis=1)
    dis = dis.reshape(NPK, DF)
    dis_ref[...] = dis
    xw = jnp.dot(
        x_ref[pl.Slice(0, N // 8, 8), :],
        wd_ref[pl.ds(0, DF), :],
        preferred_element_type=jnp.float32,
    )
    for k in range(1, 8):
        xw = xw + jnp.dot(
            x_ref[pl.Slice(k, N // 8, 8), :],
            wd_ref[pl.ds(DF * k, DF), :],
            preferred_element_type=jnp.float32,
        )
    xw0_ref[0:N // 8, :] = xw[:, :DF]
    ys1_ref[0:N // 8, :] = dis[0:N // 8] * xw[:, DF:]
    zt = jnp.zeros((NPK - N // 8, DF), jnp.float32)
    xw0_ref[N // 8:NPK, :] = zt
    ys1_ref[N // 8:NPK, :] = zt


_tc1 = pl.pallas_call(
    _tc1_body,
    out_shape=(
        jax.ShapeDtypeStruct((NPK, DF), jnp.float32),
        jax.ShapeDtypeStruct((NPK, DF), jnp.float32),
        jax.ShapeDtypeStruct((NPK, DF), jnp.float32),
    ),
)


def _tc2_body(xw0_ref, p1a_ref, dis_ref, b1_ref, wd2_ref, hw0_ref, ys2_ref):
    dis = dis_ref[...]
    p1 = (p1a_ref[0] + p1a_ref[1]) * dis
    h = jnp.maximum(xw0_ref[...] + p1 + b1_ref[...], 0.0)
    hw = jnp.dot(h, wd2_ref[...], preferred_element_type=jnp.float32)
    hw0_ref[...] = hw[:, :DF]
    ys2_ref[...] = dis * hw[:, DF:]


_tc2 = pl.pallas_call(
    _tc2_body,
    out_shape=(
        jax.ShapeDtypeStruct((NPK, DF), jnp.float32),
        jax.ShapeDtypeStruct((NPK, DF), jnp.float32),
    ),
)


def _tc3_body(hw0_ref, p2a_ref, dis_ref, b2_ref, seg_ref, out_ref):
    o = hw0_ref[...] + (p2a_ref[0] + p2a_ref[1]) * dis_ref[...] + b2_ref[...]
    se = jnp.dot(jnp.exp(o), seg_ref[...], preferred_element_type=jnp.float32)
    res = o - jnp.log(se)
    for m in range(8):
        out_ref[pl.Slice(m, N // 8, 8), :] = res[0:N // 8, DH * m:DH * (m + 1)]


_tc3 = pl.pallas_call(
    _tc3_body,
    out_shape=jax.ShapeDtypeStruct((N, DH), jnp.float32),
)


def kernel(x, edge_index, W1_0, W1_1, b1, W2_0, W2_1, b2):
    ei = edge_index.astype(jnp.int32)
    zrows = jnp.zeros((NPAD, DH), jnp.float32)
    zrows8 = jnp.zeros((NPAD, DHD), jnp.float32)
    onesb = jnp.ones((CHUNK, DHD), jnp.float32)
    eye8 = jnp.eye(8, dtype=jnp.float32)
    wd1 = jnp.concatenate(
        [jnp.kron(eye8, W1_0), jnp.kron(eye8, W1_1)], axis=1
    )
    wd2 = jnp.concatenate(
        [jnp.kron(eye8, W2_0), jnp.kron(eye8, W2_1)], axis=1
    )
    b1pk = jnp.tile(b1, 8).reshape(1, DF)
    b2pk = jnp.tile(b2, 8).reshape(1, DF)
    seg = jnp.asarray(_SEG)
    exa = jnp.asarray(_EXA)
    exb = jnp.asarray(_EXB)

    dega = _deg_sc(ei, onesb, zrows8)
    xw0, ys1, dis = _tc1(
        x, wd1, dega.reshape(NCORES, NPAD * DHD // DF, DF), exa, exb)
    p1a = _prop_sc(ys1.reshape(NPAD, DH), ei, zrows)
    hw0, ys2 = _tc2(xw0, p1a.reshape(NCORES, NPK, DF), dis, b1pk, wd2)
    p2a = _prop_sc(ys2.reshape(NPAD, DH), ei, zrows)
    return _tc3(hw0, p2a.reshape(NCORES, NPK, DF), dis, b2pk, seg)

# --- scband reference (transcript-rebuilt; emitter-appended) ---
"""Pipeline reference for scband-net-7825430413945 (READ-ONLY COPY).

The authoritative reference and input builder live on the scoring server;
editing this copy changes nothing except your own understanding.
"""

import jax, jax.numpy as jnp
import numpy as np

N_NODES = 10000
N_EDGES = 320000
D_FEAT = 128
D_HID = 16
N_CLASSES = 16


def setup_inputs(seed: int = 0) -> dict:
    key = jax.random.key(seed)
    ks = jax.random.split(key, 8)
    x = jax.random.normal(ks[0], (N_NODES, D_FEAT), dtype=jnp.float32)
    edge_index = jax.random.randint(ks[1], (2, N_EDGES), 0, N_NODES, dtype=jnp.int64)
    # TAGConv with K=1 has K+1 = 2 linear maps per layer (hop-0 and hop-1), plus bias
    W1_0 = jax.random.normal(ks[2], (D_FEAT, D_HID), dtype=jnp.float32) * 0.05
    W1_1 = jax.random.normal(ks[3], (D_FEAT, D_HID), dtype=jnp.float32) * 0.05
    b1 = jnp.zeros((D_HID,), dtype=jnp.float32)
    W2_0 = jax.random.normal(ks[4], (D_HID, N_CLASSES), dtype=jnp.float32) * 0.05
    W2_1 = jax.random.normal(ks[5], (D_HID, N_CLASSES), dtype=jnp.float32) * 0.05
    b2 = jnp.zeros((N_CLASSES,), dtype=jnp.float32)
    return {"x": x, "edge_index": edge_index, "W1_0": W1_0, "W1_1": W1_1,
            "b1": b1, "W2_0": W2_0, "W2_1": W2_1, "b2": b2}


def _gcn_norm(edge_index, num_nodes):
    # gcn_norm with add_self_loops=False (TAGConv default)
    row, col = edge_index[0], edge_index[1]
    ew = jnp.ones((edge_index.shape[1],), dtype=jnp.float32)
    deg = jax.ops.segment_sum(ew, col, num_segments=num_nodes)
    dis = jnp.where(deg > 0, deg ** -0.5, 0.0)
    norm = dis[row] * ew * dis[col]
    return row, col, norm


def _propagate(x, row, col, norm, num_nodes):
    # message = norm * x[src]; aggregate = scatter-add at dst
    msg = norm[:, None] * jnp.take(x, row, axis=0)
    return jnp.zeros((num_nodes, x.shape[1]), dtype=x.dtype).at[col].add(msg)


def _tagconv(x, row, col, norm, W0, W1, b, num_nodes):
    out = x @ W0
    xp = _propagate(x, row, col, norm, num_nodes)
    out = out + xp @ W1
    return out + b


def reference(x, edge_index, W1_0, W1_1, b1, W2_0, W2_1, b2):
    n = x.shape[0]
    row, col, norm = _gcn_norm(edge_index, n)
    h = _tagconv(x, row, col, norm, W1_0, W1_1, b1, n)
    h = jax.nn.relu(h)
    # F.dropout(training=self.training): identity in eval mode
    out = _tagconv(h, row, col, norm, W2_0, W2_1, b2, n)
    return jax.nn.log_softmax(out, axis=1)

if __name__ == "__main__":
    import jax
    _d = setup_inputs()
    print(jax.jit(kernel)(*tuple(_d.values())))

</pallas_src>

<mosaic_0001>
#map = affine_map<(d0, d1) -> (0, 0)>
#map1 = affine_map<(d0, d1) -> (0, 0, 0)>
module attributes {stable_mosaic.version = 14 : i64} {
  func.func @_prop_sc(%arg0: i32, %arg1: i32, %arg2: memref<10112x16xf32, #tpu.memory_space<hbm>>, %arg3: memref<2x320000xi32, #tpu.memory_space<hbm>>, %arg4: memref<10112x16xf32, #tpu.memory_space<hbm>>, %arg5: memref<2x10112x16xf32, #tpu.memory_space<hbm>>, %arg6: memref<10000xi32, #tpu.memory_space<vmem>>, %arg7: memref<10000xi32, #tpu.memory_space<vmem>>, %arg8: memref<80x16xf32, #tpu.memory_space<vmem>>, %arg9: memref<80x16xf32, #tpu.memory_space<vmem>>, %arg10: memref<80x16xf32, #tpu.memory_space<vmem>>, %arg11: memref<80x16xf32, #tpu.memory_space<vmem>>, %arg12: memref<80x16xf32, #tpu.memory_space<vmem>>, %arg13: memref<!tpu.dma_semaphore, #tpu.memory_space<semaphore_mem>>, %arg14: memref<!tpu.dma_semaphore, #tpu.memory_space<semaphore_mem>>, %arg15: memref<!tpu.dma_semaphore, #tpu.memory_space<semaphore_mem>>, %arg16: memref<!tpu.dma_semaphore, #tpu.memory_space<semaphore_mem>>, %arg17: memref<!tpu.dma_semaphore, #tpu.memory_space<semaphore_mem>>, %arg18: memref<!tpu.dma_semaphore, #tpu.memory_space<semaphore_mem>>, %arg19: memref<!tpu.dma_semaphore, #tpu.memory_space<semaphore_mem>>, %arg20: memref<!tpu.dma_semaphore, #tpu.memory_space<semaphore_mem>>, %arg21: memref<!tpu.dma_semaphore, #tpu.memory_space<semaphore_mem>>, %arg22: memref<!tpu.dma_semaphore, #tpu.memory_space<semaphore_mem>>, %arg23: memref<10112x16xf32, #tpu.memory_space<vmem_shared>>, %arg24: memref<10112x16xf32, #tpu.memory_space<vmem_shared>>) attributes {dimension_semantics = [#tpu.dimension_semantics<core_parallel>, #tpu.dimension_semantics<subcore_parallel>], iteration_bounds = array<i64: 2, 16>, scalar_prefetch = 0 : i64, scratch_operands = 19 : i64, tpu.core_type = #tpu.core_type<sc_vector_subcore>, window_params = [{transform_indices = #map}, {transform_indices = #map}, {transform_indices = #map}, {transform_indices = #map1}]} {
    %mul3A = arith.constant 16 : i32
    %mul3A_0 = arith.muli %arg0, %mul3A : i32
    %add3A = arith.addi %mul3A_0, %arg1 : i32
    %mul3A_1 = arith.constant 632 : i32
    %mul3A_2 = arith.muli %arg1, %mul3A_1 : i32
    %mul3A_3 = arith.constant 632 : i32
    %mul3A_4 = arith.muli %arg1, %mul3A_3 : i32
    "tpu.region"() ({
      %run_scoped3A_52 = tpu.sem_alloc : memref<!tpu.dma_semaphore, #tpu.memory_space<semaphore_mem>>
      %dma_start3A = arith.constant 0 : i32
      %dma_start3A_53 = tpu.memref_slice %arg23[%mul3A_4, %dma_start3A] : memref<10112x16xf32, #tpu.memory_space<vmem_shared>> -> memref<632x16xf32, #tpu.memory_space<vmem_shared>>
      %dma_start3A_54 = arith.constant 0 : i32
      %dma_start3A_55 = tpu.memref_slice %arg4[%mul3A_2, %dma_start3A_54] : memref<10112x16xf32, #tpu.memory_space<hbm>> -> memref<632x16xf32, #tpu.memory_space<hbm>>
      tpu.enqueue_dma source(%dma_start3A_55 : memref<632x16xf32, #tpu.memory_space<hbm>>) target(%dma_start3A_53 : memref<632x16xf32, #tpu.memory_space<vmem_shared>>) target_semaphore(%run_scoped3A_52 : memref<!tpu.dma_semaphore, #tpu.memory_space<semaphore_mem>>)
      %dma_wait3A_56 = arith.constant 0 : i32
      %dma_wait3A_57 = tpu.memref_slice %arg23[%mul3A_4, %dma_wait3A_56] : memref<10112x16xf32, #tpu.memory_space<vmem_shared>> -> memref<632x16xf32, #tpu.memory_space<vmem_shared>>
      %dma_wait3A_58 = arith.constant 0 : i32
      %dma_wait3A_59 = tpu.memref_slice %arg4[%mul3A_2, %dma_wait3A_58] : memref<10112x16xf32, #tpu.memory_space<hbm>> -> memref<632x16xf32, #tpu.memory_space<hbm>>
      tpu.wait_dma2 semaphore(%run_scoped3A_52 : memref<!tpu.dma_semaphore, #tpu.memory_space<semaphore_mem>>) src(%dma_wait3A_59 : memref<632x16xf32, #tpu.memory_space<hbm>>) dst(%dma_wait3A_57 : memref<632x16xf32, #tpu.memory_space<vmem_shared>>)
      tpu.yield
    }) : () -> ()
    %mul3A_5 = arith.constant 632 : i32
    %mul3A_6 = arith.muli %arg1, %mul3A_5 : i32
    %mul3A_7 = arith.constant 632 : i32
    %mul3A_8 = arith.muli %arg1, %mul3A_7 : i32
    "tpu.region"() ({
      %run_scoped3A_52 = tpu.sem_alloc : memref<!tpu.dma_semaphore, #tpu.memory_space<semaphore_mem>>
      %dma_start3A = arith.constant 0 : i32
      %dma_start3A_53 = tpu.memref_slice %arg24[%mul3A_8, %dma_start3A] : memref<10112x16xf32, #tpu.memory_space<vmem_shared>> -> memref<632x16xf32, #tpu.memory_space<vmem_shared>>
      %dma_start3A_54 = arith.constant 0 : i32
      %dma_start3A_55 = tpu.memref_slice %arg2[%mul3A_6, %dma_start3A_54] : memref<10112x16xf32, #tpu.memory_space<hbm>> -> memref<632x16xf32, #tpu.memory_space<hbm>>
      tpu.enqueue_dma source(%dma_start3A_55 : memref<632x16xf32, #tpu.memory_space<hbm>>) target(%dma_start3A_53 : memref<632x16xf32, #tpu.memory_space<vmem_shared>>) target_semaphore(%run_scoped3A_52 : memref<!tpu.dma_semaphore, #tpu.memory_space<semaphore_mem>>)
      %dma_wait3A_56 = arith.constant 0 : i32
      %dma_wait3A_57 = tpu.memref_slice %arg24[%mul3A_8, %dma_wait3A_56] : memref<10112x16xf32, #tpu.memory_space<vmem_shared>> -> memref<632x16xf32, #tpu.memory_space<vmem_shared>>
      %dma_wait3A_58 = arith.constant 0 : i32
      %dma_wait3A_59 = tpu.memref_slice %arg2[%mul3A_6, %dma_wait3A_58] : memref<10112x16xf32, #tpu.memory_space<hbm>> -> memref<632x16xf32, #tpu.memory_space<hbm>>
      tpu.wait_dma2 semaphore(%run_scoped3A_52 : memref<!tpu.dma_semaphore, #tpu.memory_space<semaphore_mem>>) src(%dma_wait3A_59 : memref<632x16xf32, #tpu.memory_space<hbm>>) dst(%dma_wait3A_57 : memref<632x16xf32, #tpu.memory_space<vmem_shared>>)
      tpu.yield
    }) : () -> ()
    %mul3A_9 = arith.constant 125 : i32
    %mul3A_10 = arith.muli %add3A, %mul3A_9 : i32
    %mul3A_11 = arith.constant 80 : i32
    %mul3A_12 = arith.muli %mul3A_10, %mul3A_11 : i32
    %run_scoped3A = arith.constant 0 : i32
    "tpu.region"() ({
      %run_scoped3A_52 = tpu.sem_alloc : memref<!tpu.dma_semaphore, #tpu.memory_space<semaphore_mem>>
      %dma_start3A = tpu.memref_slice %arg3[%run_scoped3A, %mul3A_12] : memref<2x320000xi32, #tpu.memory_space<hbm>> -> memref<1x10000xi32, #tpu.memory_space<hbm>>
      %dma_start3A_53 = tpu.memref_squeeze %dma_start3A : memref<1x10000xi32, #tpu.memory_space<hbm>> -> memref<10000xi32, #tpu.memory_space<hbm>>
      %dma_start3A_54 = tpu.memref_slice %arg3[%run_scoped3A, %mul3A_12] : memref<2x320000xi32, #tpu.memory_space<hbm>> -> memref<1x10000xi32, #tpu.memory_space<hbm>>
      %dma_start3A_55 = tpu.memref_squeeze %dma_start3A_54 : memref<1x10000xi32, #tpu.memory_space<hbm>> -> memref<10000xi32, #tpu.memory_space<hbm>>
      tpu.enqueue_dma source(%dma_start3A_55 : memref<10000xi32, #tpu.memory_space<hbm>>) target(%arg6 : memref<10000xi32, #tpu.memory_space<vmem>>) target_semaphore(%run_scoped3A_52 : memref<!tpu.dma_semaphore, #tpu.memory_space<semaphore_mem>>)
      %dma_wait3A_56 = tpu.memref_slice %arg3[%run_scoped3A, %mul3A_12] : memref<2x320000xi32, #tpu.memory_space<hbm>> -> memref<1x10000xi32, #tpu.memory_space<hbm>>
      %dma_wait3A_57 = tpu.memref_squeeze %dma_wait3A_56 : memref<1x10000xi32, #tpu.memory_space<hbm>> -> memref<10000xi32, #tpu.memory_space<hbm>>
      %dma_wait3A_58 = tpu.memref_slice %arg3[%run_scoped3A, %mul3A_12] : memref<2x320000xi32, #tpu.memory_space<hbm>> -> memref<1x10000xi32, #tpu.memory_space<hbm>>
      %dma_wait3A_59 = tpu.memref_squeeze %dma_wait3A_58 : memref<1x10000xi32, #tpu.memory_space<hbm>> -> memref<10000xi32, #tpu.memory_space<hbm>>
      tpu.wait_dma2 semaphore(%run_scoped3A_52 : memref<!tpu.dma_semaphore, #tpu.memory_space<semaphore_mem>>) src(%dma_wait3A_59 : memref<10000xi32, #tpu.memory_space<hbm>>) dst(%arg6 : memref<10000xi32, #tpu.memory_space<vmem>>)
      tpu.yield
    }) : () -> ()
    %mul3A_13 = arith.constant 125 : i32
    %mul3A_14 = arith.muli %add3A, %mul3A_13 : i32
    %mul3A_15 = arith.constant 80 : i32
    %mul3A_16 = arith.muli %mul3A_14, %mul3A_15 : i32
    %run_scoped3A_17 = arith.constant 1 : i32
    "tpu.region"() ({
      %run_scoped3A_52 = tpu.sem_alloc : memref<!tpu.dma_semaphore, #tpu.memory_space<semaphore_mem>>
      %dma_start3A = tpu.memref_slice %arg3[%run_scoped3A_17, %mul3A_16] : memref<2x320000xi32, #tpu.memory_space<hbm>> -> memref<1x10000xi32, #tpu.memory_space<hbm>>
      %dma_start3A_53 = tpu.memref_squeeze %dma_start3A : memref<1x10000xi32, #tpu.memory_space<hbm>> -> memref<10000xi32, #tpu.memory_space<hbm>>
      %dma_start3A_54 = tpu.memref_slice %arg3[%run_scoped3A_17, %mul3A_16] : memref<2x320000xi32, #tpu.memory_space<hbm>> -> memref<1x10000xi32, #tpu.memory_space<hbm>>
      %dma_start3A_55 = tpu.memref_squeeze %dma_start3A_54 : memref<1x10000xi32, #tpu.memory_space<hbm>> -> memref<10000xi32, #tpu.memory_space<hbm>>
      tpu.enqueue_dma source(%dma_start3A_55 : memref<10000xi32, #tpu.memory_space<hbm>>) target(%arg7 : memref<10000xi32, #tpu.memory_space<vmem>>) target_semaphore(%run_scoped3A_52 : memref<!tpu.dma_semaphore, #tpu.memory_space<semaphore_mem>>)
      %dma_wait3A_56 = tpu.memref_slice %arg3[%run_scoped3A_17, %mul3A_16] : memref<2x320000xi32, #tpu.memory_space<hbm>> -> memref<1x10000xi32, #tpu.memory_space<hbm>>
      %dma_wait3A_57 = tpu.memref_squeeze %dma_wait3A_56 : memref<1x10000xi32, #tpu.memory_space<hbm>> -> memref<10000xi32, #tpu.memory_space<hbm>>
      %dma_wait3A_58 = tpu.memref_slice %arg3[%run_scoped3A_17, %mul3A_16] : memref<2x320000xi32, #tpu.memory_space<hbm>> -> memref<1x10000xi32, #tpu.memory_space<hbm>>
      %dma_wait3A_59 = tpu.memref_squeeze %dma_wait3A_58 : memref<1x10000xi32, #tpu.memory_space<hbm>> -> memref<10000xi32, #tpu.memory_space<hbm>>
      tpu.wait_dma2 semaphore(%run_scoped3A_52 : memref<!tpu.dma_semaphore, #tpu.memory_space<semaphore_mem>>) src(%dma_wait3A_59 : memref<10000xi32, #tpu.memory_space<hbm>>) dst(%arg7 : memref<10000xi32, #tpu.memory_space<vmem>>)
      tpu.yield
    }) : () -> ()
    %barrier3A = arith.constant 0 : index
    tpu.barrier barrier_id(%barrier3A)
    %scan3A = arith.constant 0 : i32
    %scan3A_18 = arith.constant 0 : i32
    %scan3A_19 = arith.constant 25 : i32
    %scan3A_20 = arith.addi %scan3A_18, %scan3A_19 : i32
    %scan3A_21 = arith.constant 1 : i32
    scf.for %scan3A_52 = %scan3A_18 to %scan3A_20 step %scan3A_21  : i32 {
      %mul3A_53 = arith.constant 5 : i32
      %mul3A_54 = arith.muli %scan3A_52, %mul3A_53 : i32
      %mul3A_55 = arith.constant 80 : i32
      %mul3A_56 = arith.muli %mul3A_54, %mul3A_55 : i32
      %gt3A = arith.constant 0 : i32
      %gt3A_57 = arith.cmpi sgt, %scan3A_52, %gt3A : i32
      %convert_element_type3A = arith.extui %gt3A_57 : i1 to i32
      %cond3A = arith.constant 0 : i32
      %cond3A_58 = arith.cmpi ne, %convert_element_type3A, %cond3A : i32
      scf.if %cond3A_58 {
        %dma_wait3A_138 = arith.constant 0 : i32
        %dma_wait3A_139 = tpu.memref_slice %arg7[%dma_wait3A_138] : memref<10000xi32, #tpu.memory_space<vmem>> -> memref<80xi32, #tpu.memory_space<vmem>>
        %dma_wait3A_140 = arith.constant 0 : i32
        %dma_wait3A_141 = arith.constant 0 : i32
        %dma_wait3A_142 = tpu.memref_slice %arg23[%dma_wait3A_140, %dma_wait3A_141] : memref<10112x16xf32, #tpu.memory_space<vmem_shared>> -> memref<10112x16xf32, #tpu.memory_space<vmem_shared>>
        tpu.wait_indirect_dma semaphore(%arg18 : memref<!tpu.dma_semaphore, #tpu.memory_space<semaphore_mem>>) src(%arg8 : memref<80x16xf32, #tpu.memory_space<vmem>>) dst(%dma_wait3A_142 : memref<10112x16xf32, #tpu.memory_space<vmem_shared>>)
        %dma_wait3A_143 = arith.constant 0 : i32
        %dma_wait3A_144 = tpu.memref_slice %arg7[%dma_wait3A_143] : memref<10000xi32, #tpu.memory_space<vmem>> -> memref<80xi32, #tpu.memory_space<vmem>>
        %dma_wait3A_145 = arith.constant 0 : i32
        %dma_wait3A_146 = arith.constant 0 : i32
        %dma_wait3A_147 = tpu.memref_slice %arg23[%dma_wait3A_145, %dma_wait3A_146] : memref<10112x16xf32, #tpu.memory_space<vmem_shared>> -> memref<10112x16xf32, #tpu.memory_space<vmem_shared>>
        tpu.wait_indirect_dma semaphore(%arg19 : memref<!tpu.dma_semaphore, #tpu.memory_space<semaphore_mem>>) src(%arg9 : memref<80x16xf32, #tpu.memory_space<vmem>>) dst(%dma_wait3A_147 : memref<10112x16xf32, #tpu.memory_space<vmem_shared>>)
        %dma_wait3A_148 = arith.constant 0 : i32
        %dma_wait3A_149 = tpu.memref_slice %arg7[%dma_wait3A_148] : memref<10000xi32, #tpu.memory_space<vmem>> -> memref<80xi32, #tpu.memory_space<vmem>>
        %dma_wait3A_150 = arith.constant 0 : i32
        %dma_wait3A_151 = arith.constant 0 : i32
        %dma_wait3A_152 = tpu.memref_slice %arg23[%dma_wait3A_150, %dma_wait3A_151] : memref<10112x16xf32, #tpu.memory_space<vmem_shared>> -> memref<10112x16xf32, #tpu.memory_space<vmem_shared>>
        tpu.wait_indirect_dma semaphore(%arg20 : memref<!tpu.dma_semaphore, #tpu.memory_space<semaphore_mem>>) src(%arg10 : memref<80x16xf32, #tpu.memory_space<vmem>>) dst(%dma_wait3A_152 : memref<10112x16xf32, #tpu.memory_space<vmem_shared>>)
        %dma_wait3A_153 = arith.constant 0 : i32
        %dma_wait3A_154 = tpu.memref_slice %arg7[%dma_wait3A_153] : memref<10000xi32, #tpu.memory_space<vmem>> -> memref<80xi32, #tpu.memory_space<vmem>>
        %dma_wait3A_155 = arith.constant 0 : i32
        %dma_wait3A_156 = arith.constant 0 : i32
        %dma_wait3A_157 = tpu.memref_slice %arg23[%dma_wait3A_155, %dma_wait3A_156] : memref<10112x16xf32, #tpu.memory_space<vmem_shared>> -> memref<10112x16xf32, #tpu.memory_space<vmem_shared>>
        tpu.wait_indirect_dma semaphore(%arg21 : memref<!tpu.dma_semaphore, #tpu.memory_space<semaphore_mem>>) src(%arg11 : memref<80x16xf32, #tpu.memory_space<vmem>>) dst(%dma_wait3A_157 : memref<10112x16xf32, #tpu.memory_space<vmem_shared>>)
        %dma_wait3A_158 = arith.constant 0 : i32
        %dma_wait3A_159 = tpu.memref_slice %arg7[%dma_wait3A_158] : memref<10000xi32, #tpu.memory_space<vmem>> -> memref<80xi32, #tpu.memory_space<vmem>>
        %dma_wait3A_160 = arith.constant 0 : i32
        %dma_wait3A_161 = arith.constant 0 : i32
        %dma_wait3A_162 = tpu.memref_slice %arg23[%dma_wait3A_160, %dma_wait3A_161] : memref<10112x16xf32, #tpu.memory_space<vmem_shared>> -> memref<10112x16xf32, #tpu.memory_space<vmem_shared>>
        tpu.wait_indirect_dma semaphore(%arg22 : memref<!tpu.dma_semaphore, #tpu.memory_space<semaphore_mem>>) src(%arg12 : memref<80x16xf32, #tpu.memory_space<vmem>>) dst(%dma_wait3A_162 : memref<10112x16xf32, #tpu.memory_space<vmem_shared>>)
      } else {
      }
      %add3A_59 = arith.constant 0 : i32
      %add3A_60 = arith.addi %mul3A_56, %add3A_59 : i32
      %dma_start3A = tpu.memref_slice %arg6[%add3A_60] : memref<10000xi32, #tpu.memory_space<vmem>> -> memref<80xi32, #tpu.memory_space<vmem>>
      %dma_start3A_61 = arith.constant 0 : i32
      %dma_start3A_62 = arith.constant 0 : i32
      %dma_start3A_63 = tpu.memref_slice %arg24[%dma_start3A_61, %dma_start3A_62] : memref<10112x16xf32, #tpu.memory_space<vmem_shared>> -> memref<10112x16xf32, #tpu.memory_space<vmem_shared>>
      tpu.enqueue_indirect_dma source(%dma_start3A_63 : memref<10112x16xf32, #tpu.memory_space<vmem_shared>>) target(%arg8 : memref<80x16xf32, #tpu.memory_space<vmem>>) offsets(%dma_start3A : memref<80xi32, #tpu.memory_space<vmem>>) semaphore(%arg13 : memref<!tpu.dma_semaphore, #tpu.memory_space<semaphore_mem>>)
      %add3A_64 = arith.constant 80 : i32
      %add3A_65 = arith.addi %mul3A_56, %add3A_64 : i32
      %dma_start3A_66 = tpu.memref_slice %arg6[%add3A_65] : memref<10000xi32, #tpu.memory_space<vmem>> -> memref<80xi32, #tpu.memory_space<vmem>>
      %dma_start3A_67 = arith.constant 0 : i32
      %dma_start3A_68 = arith.constant 0 : i32
      %dma_start3A_69 = tpu.memref_slice %arg24[%dma_start3A_67, %dma_start3A_68] : memref<10112x16xf32, #tpu.memory_space<vmem_shared>> -> memref<10112x16xf32, #tpu.memory_space<vmem_shared>>
      tpu.enqueue_indirect_dma source(%dma_start3A_69 : memref<10112x16xf32, #tpu.memory_space<vmem_shared>>) target(%arg9 : memref<80x16xf32, #tpu.memory_space<vmem>>) offsets(%dma_start3A_66 : memref<80xi32, #tpu.memory_space<vmem>>) semaphore(%arg14 : memref<!tpu.dma_semaphore, #tpu.memory_space<semaphore_mem>>)
      %add3A_70 = arith.constant 160 : i32
      %add3A_71 = arith.addi %mul3A_56, %add3A_70 : i32
      %dma_start3A_72 = tpu.memref_slice %arg6[%add3A_71] : memref<10000xi32, #tpu.memory_space<vmem>> -> memref<80xi32, #tpu.memory_space<vmem>>
      %dma_start3A_73 = arith.constant 0 : i32
      %dma_start3A_74 = arith.constant 0 : i32
      %dma_start3A_75 = tpu.memref_slice %arg24[%dma_start3A_73, %dma_start3A_74] : memref<10112x16xf32, #tpu.memory_space<vmem_shared>> -> memref<10112x16xf32, #tpu.memory_space<vmem_shared>>
      tpu.enqueue_indirect_dma source(%dma_start3A_75 : memref<10112x16xf32, #tpu.memory_space<vmem_shared>>) target(%arg10 : memref<80x16xf32, #tpu.memory_space<vmem>>) offsets(%dma_start3A_72 : memref<80xi32, #tpu.memory_space<vmem>>) semaphore(%arg15 : memref<!tpu.dma_semaphore, #tpu.memory_space<semaphore_mem>>)
      %add3A_76 = arith.constant 240 : i32
      %add3A_77 = arith.addi %mul3A_56, %add3A_76 : i32
      %dma_start3A_78 = tpu.memref_slice %arg6[%add3A_77] : memref<10000xi32, #tpu.memory_space<vmem>> -> memref<80xi32, #tpu.memory_space<vmem>>
      %dma_start3A_79 = arith.constant 0 : i32
      %dma_start3A_80 = arith.constant 0 : i32
      %dma_start3A_81 = tpu.memref_slice %arg24[%dma_start3A_79, %dma_start3A_80] : memref<10112x16xf32, #tpu.memory_space<vmem_shared>> -> memref<10112x16xf32, #tpu.memory_space<vmem_shared>>
      tpu.enqueue_indirect_dma source(%dma_start3A_81 : memref<10112x16xf32, #tpu.memory_space<vmem_shared>>) target(%arg11 : memref<80x16xf32, #tpu.memory_space<vmem>>) offsets(%dma_start3A_78 : memref<80xi32, #tpu.memory_space<vmem>>) semaphore(%arg16 : memref<!tpu.dma_semaphore, #tpu.memory_space<semaphore_mem>>)
      %add3A_82 = arith.constant 320 : i32
      %add3A_83 = arith.addi %mul3A_56, %add3A_82 : i32
      %dma_start3A_84 = tpu.memref_slice %arg6[%add3A_83] : memref<10000xi32, #tpu.memory_space<vmem>> -> memref<80xi32, #tpu.memory_space<vmem>>
      %dma_start3A_85 = arith.constant 0 : i32
      %dma_start3A_86 = arith.constant 0 : i32
      %dma_start3A_87 = tpu.memref_slice %arg24[%dma_start3A_85, %dma_start3A_86] : memref<10112x16xf32, #tpu.memory_space<vmem_shared>> -> memref<10112x16xf32, #tpu.memory_space<vmem_shared>>
      tpu.enqueue_indirect_dma source(%dma_start3A_87 : memref<10112x16xf32, #tpu.memory_space<vmem_shared>>) target(%arg12 : memref<80x16xf32, #tpu.memory_space<vmem>>) offsets(%dma_start3A_84 : memref<80xi32, #tpu.memory_space<vmem>>) semaphore(%arg17 : memref<!tpu.dma_semaphore, #tpu.memory_space<semaphore_mem>>)
      %dma_wait3A_88 = tpu.memref_slice %arg6[%add3A_60] : memref<10000xi32, #tpu.memory_space<vmem>> -> memref<80xi32, #tpu.memory_space<vmem>>
      %dma_wait3A_89 = arith.constant 0 : i32
      %dma_wait3A_90 = arith.constant 0 : i32
      %dma_wait3A_91 = tpu.memref_slice %arg24[%dma_wait3A_89, %dma_wait3A_90] : memref<10112x16xf32, #tpu.memory_space<vmem_shared>> -> memref<10112x16xf32, #tpu.memory_space<vmem_shared>>
      tpu.wait_indirect_dma semaphore(%arg13 : memref<!tpu.dma_semaphore, #tpu.memory_space<semaphore_mem>>) src(%dma_wait3A_91 : memref<10112x16xf32, #tpu.memory_space<vmem_shared>>) dst(%arg8 : memref<80x16xf32, #tpu.memory_space<vmem>>)
      %add3A_92 = arith.constant 0 : i32
      %add3A_93 = arith.addi %mul3A_56, %add3A_92 : i32
      %dma_start3A_94 = tpu.memref_slice %arg7[%add3A_93] : memref<10000xi32, #tpu.memory_space<vmem>> -> memref<80xi32, #tpu.memory_space<vmem>>
      %dma_start3A_95 = arith.constant 0 : i32
      %dma_start3A_96 = arith.constant 0 : i32
      %dma_start3A_97 = tpu.memref_slice %arg23[%dma_start3A_95, %dma_start3A_96] : memref<10112x16xf32, #tpu.memory_space<vmem_shared>> -> memref<10112x16xf32, #tpu.memory_space<vmem_shared>>
      tpu.enqueue_indirect_dma source(%arg8 : memref<80x16xf32, #tpu.memory_space<vmem>>) target(%dma_start3A_97 : memref<10112x16xf32, #tpu.memory_space<vmem_shared>>) offsets(%dma_start3A_94 : memref<80xi32, #tpu.memory_space<vmem>>) semaphore(%arg18 : memref<!tpu.dma_semaphore, #tpu.memory_space<semaphore_mem>>) {add = true}
      %dma_wait3A_98 = tpu.memref_slice %arg6[%add3A_65] : memref<10000xi32, #tpu.memory_space<vmem>> -> memref<80xi32, #tpu.memory_space<vmem>>
      %dma_wait3A_99 = arith.constant 0 : i32
      %dma_wait3A_100 = arith.constant 0 : i32
      %dma_wait3A_101 = tpu.memref_slice %arg24[%dma_wait3A_99, %dma_wait3A_100] : memref<10112x16xf32, #tpu.memory_space<vmem_shared>> -> memref<10112x16xf32, #tpu.memory_space<vmem_shared>>
      tpu.wait_indirect_dma semaphore(%arg14 : memref<!tpu.dma_semaphore, #tpu.memory_space<semaphore_mem>>) src(%dma_wait3A_101 : memref<10112x16xf32, #tpu.memory_space<vmem_shared>>) dst(%arg9 : memref<80x16xf32, #tpu.memory_space<vmem>>)
      %add3A_102 = arith.constant 80 : i32
      %add3A_103 = arith.addi %mul3A_56, %add3A_102 : i32
      %dma_start3A_104 = tpu.memref_slice %arg7[%add3A_103] : memref<10000xi32, #tpu.memory_space<vmem>> -> memref<80xi32, #tpu.memory_space<vmem>>
      %dma_start3A_105 = arith.constant 0 : i32
      %dma_start3A_106 = arith.constant 0 : i32
      %dma_start3A_107 = tpu.memref_slice %arg23[%dma_start3A_105, %dma_start3A_106] : memref<10112x16xf32, #tpu.memory_space<vmem_shared>> -> memref<10112x16xf32, #tpu.memory_space<vmem_shared>>
      tpu.enqueue_indirect_dma source(%arg9 : memref<80x16xf32, #tpu.memory_space<vmem>>) target(%dma_start3A_107 : memref<10112x16xf32, #tpu.memory_space<vmem_shared>>) offsets(%dma_start3A_104 : memref<80xi32, #tpu.memory_space<vmem>>) semaphore(%arg19 : memref<!tpu.dma_semaphore, #tpu.memory_space<semaphore_mem>>) {add = true}
      %dma_wait3A_108 = tpu.memref_slice %arg6[%add3A_71] : memref<10000xi32, #tpu.memory_space<vmem>> -> memref<80xi32, #tpu.memory_space<vmem>>
      %dma_wait3A_109 = arith.constant 0 : i32
      %dma_wait3A_110 = arith.constant 0 : i32
      %dma_wait3A_111 = tpu.memref_slice %arg24[%dma_wait3A_109, %dma_wait3A_110] : memref<10112x16xf32, #tpu.memory_space<vmem_shared>> -> memref<10112x16xf32, #tpu.memory_space<vmem_shared>>
      tpu.wait_indirect_dma semaphore(%arg15 : memref<!tpu.dma_semaphore, #tpu.memory_space<semaphore_mem>>) src(%dma_wait3A_111 : memref<10112x16xf32, #tpu.memory_space<vmem_shared>>) dst(%arg10 : memref<80x16xf32, #tpu.memory_space<vmem>>)
      %add3A_112 = arith.constant 160 : i32
      %add3A_113 = arith.addi %mul3A_56, %add3A_112 : i32
      %dma_start3A_114 = tpu.memref_slice %arg7[%add3A_113] : memref<10000xi32, #tpu.memory_space<vmem>> -> memref<80xi32, #tpu.memory_space<vmem>>
      %dma_start3A_115 = arith.constant 0 : i32
      %dma_start3A_116 = arith.constant 0 : i32
      %dma_start3A_117 = tpu.memref_slice %arg23[%dma_start3A_115, %dma_start3A_116] : memref<10112x16xf32, #tpu.memory_space<vmem_shared>> -> memref<10112x16xf32, #tpu.memory_space<vmem_shared>>
      tpu.enqueue_indirect_dma source(%arg10 : memref<80x16xf32, #tpu.memory_space<vmem>>) target(%dma_start3A_117 : memref<10112x16xf32, #tpu.memory_space<vmem_shared>>) offsets(%dma_start3A_114 : memref<80xi32, #tpu.memory_space<vmem>>) semaphore(%arg20 : memref<!tpu.dma_semaphore, #tpu.memory_space<semaphore_mem>>) {add = true}
      %dma_wait3A_118 = tpu.memref_slice %arg6[%add3A_77] : memref<10000xi32, #tpu.memory_space<vmem>> -> memref<80xi32, #tpu.memory_space<vmem>>
      %dma_wait3A_119 = arith.constant 0 : i32
      %dma_wait3A_120 = arith.constant 0 : i32
      %dma_wait3A_121 = tpu.memref_slice %arg24[%dma_wait3A_119, %dma_wait3A_120] : memref<10112x16xf32, #tpu.memory_space<vmem_shared>> -> memref<10112x16xf32, #tpu.memory_space<vmem_shared>>
      tpu.wait_indirect_dma semaphore(%arg16 : memref<!tpu.dma_semaphore, #tpu.memory_space<semaphore_mem>>) src(%dma_wait3A_121 : memref<10112x16xf32, #tpu.memory_space<vmem_shared>>) dst(%arg11 : memref<80x16xf32, #tpu.memory_space<vmem>>)
      %add3A_122 = arith.constant 240 : i32
      %add3A_123 = arith.addi %mul3A_56, %add3A_122 : i32
      %dma_start3A_124 = tpu.memref_slice %arg7[%add3A_123] : memref<10000xi32, #tpu.memory_space<vmem>> -> memref<80xi32, #tpu.memory_space<vmem>>
      %dma_start3A_125 = arith.constant 0 : i32
      %dma_start3A_126 = arith.constant 0 : i32
      %dma_start3A_127 = tpu.memref_slice %arg23[%dma_start3A_125, %dma_start3A_126] : memref<10112x16xf32, #tpu.memory_space<vmem_shared>> -> memref<10112x16xf32, #tpu.memory_space<vmem_shared>>
      tpu.enqueue_indirect_dma source(%arg11 : memref<80x16xf32, #tpu.memory_space<vmem>>) target(%dma_start3A_127 : memref<10112x16xf32, #tpu.memory_space<vmem_shared>>) offsets(%dma_start3A_124 : memref<80xi32, #tpu.memory_space<vmem>>) semaphore(%arg21 : memref<!tpu.dma_semaphore, #tpu.memory_space<semaphore_mem>>) {add = true}
      %dma_wait3A_128 = tpu.memref_slice %arg6[%add3A_83] : memref<10000xi32, #tpu.memory_space<vmem>> -> memref<80xi32, #tpu.memory_space<vmem>>
      %dma_wait3A_129 = arith.constant 0 : i32
      %dma_wait3A_130 = arith.constant 0 : i32
      %dma_wait3A_131 = tpu.memref_slice %arg24[%dma_wait3A_129, %dma_wait3A_130] : memref<10112x16xf32, #tpu.memory_space<vmem_shared>> -> memref<10112x16xf32, #tpu.memory_space<vmem_shared>>
      tpu.wait_indirect_dma semaphore(%arg17 : memref<!tpu.dma_semaphore, #tpu.memory_space<semaphore_mem>>) src(%dma_wait3A_131 : memref<10112x16xf32, #tpu.memory_space<vmem_shared>>) dst(%arg12 : memref<80x16xf32, #tpu.memory_space<vmem>>)
      %add3A_132 = arith.constant 320 : i32
      %add3A_133 = arith.addi %mul3A_56, %add3A_132 : i32
      %dma_start3A_134 = tpu.memref_slice %arg7[%add3A_133] : memref<10000xi32, #tpu.memory_space<vmem>> -> memref<80xi32, #tpu.memory_space<vmem>>
      %dma_start3A_135 = arith.constant 0 : i32
      %dma_start3A_136 = arith.constant 0 : i32
      %dma_start3A_137 = tpu.memref_slice %arg23[%dma_start3A_135, %dma_start3A_136] : memref<10112x16xf32, #tpu.memory_space<vmem_shared>> -> memref<10112x16xf32, #tpu.memory_space<vmem_shared>>
      tpu.enqueue_indirect_dma source(%arg12 : memref<80x16xf32, #tpu.memory_space<vmem>>) target(%dma_start3A_137 : memref<10112x16xf32, #tpu.memory_space<vmem_shared>>) offsets(%dma_start3A_134 : memref<80xi32, #tpu.memory_space<vmem>>) semaphore(%arg22 : memref<!tpu.dma_semaphore, #tpu.memory_space<semaphore_mem>>) {add = true}
    }
    %scan3A_22 = arith.constant 25 : i32
    %dma_wait3A = arith.constant 0 : i32
    %dma_wait3A_23 = tpu.memref_slice %arg7[%dma_wait3A] : memref<10000xi32, #tpu.memory_space<vmem>> -> memref<80xi32, #tpu.memory_space<vmem>>
    %dma_wait3A_24 = arith.constant 0 : i32
    %dma_wait3A_25 = arith.constant 0 : i32
    %dma_wait3A_26 = tpu.memref_slice %arg23[%dma_wait3A_24, %dma_wait3A_25] : memref<10112x16xf32, #tpu.memory_space<vmem_shared>> -> memref<10112x16xf32, #tpu.memory_space<vmem_shared>>
    tpu.wait_indirect_dma semaphore(%arg18 : memref<!tpu.dma_semaphore, #tpu.memory_space<semaphore_mem>>) src(%arg8 : memref<80x16xf32, #tpu.memory_space<vmem>>) dst(%dma_wait3A_26 : memref<10112x16xf32, #tpu.memory_space<vmem_shared>>)
    %dma_wait3A_27 = arith.constant 0 : i32
    %dma_wait3A_28 = tpu.memref_slice %arg7[%dma_wait3A_27] : memref<10000xi32, #tpu.memory_space<vmem>> -> memref<80xi32, #tpu.memory_space<vmem>>
    %dma_wait3A_29 = arith.constant 0 : i32
    %dma_wait3A_30 = arith.constant 0 : i32
    %dma_wait3A_31 = tpu.memref_slice %arg23[%dma_wait3A_29, %dma_wait3A_30] : memref<10112x16xf32, #tpu.memory_space<vmem_shared>> -> memref<10112x16xf32, #tpu.memory_space<vmem_shared>>
    tpu.wait_indirect_dma semaphore(%arg19 : memref<!tpu.dma_semaphore, #tpu.memory_space<semaphore_mem>>) src(%arg9 : memref<80x16xf32, #tpu.memory_space<vmem>>) dst(%dma_wait3A_31 : memref<10112x16xf32, #tpu.memory_space<vmem_shared>>)
    %dma_wait3A_32 = arith.constant 0 : i32
    %dma_wait3A_33 = tpu.memref_slice %arg7[%dma_wait3A_32] : memref<10000xi32, #tpu.memory_space<vmem>> -> memref<80xi32, #tpu.memory_space<vmem>>
    %dma_wait3A_34 = arith.constant 0 : i32
    %dma_wait3A_35 = arith.constant 0 : i32
    %dma_wait3A_36 = tpu.memref_slice %arg23[%dma_wait3A_34, %dma_wait3A_35] : memref<10112x16xf32, #tpu.memory_space<vmem_shared>> -> memref<10112x16xf32, #tpu.memory_space<vmem_shared>>
    tpu.wait_indirect_dma semaphore(%arg20 : memref<!tpu.dma_semaphore, #tpu.memory_space<semaphore_mem>>) src(%arg10 : memref<80x16xf32, #tpu.memory_space<vmem>>) dst(%dma_wait3A_36 : memref<10112x16xf32, #tpu.memory_space<vmem_shared>>)
    %dma_wait3A_37 = arith.constant 0 : i32
    %dma_wait3A_38 = tpu.memref_slice %arg7[%dma_wait3A_37] : memref<10000xi32, #tpu.memory_space<vmem>> -> memref<80xi32, #tpu.memory_space<vmem>>
    %dma_wait3A_39 = arith.constant 0 : i32
    %dma_wait3A_40 = arith.constant 0 : i32
    %dma_wait3A_41 = tpu.memref_slice %arg23[%dma_wait3A_39, %dma_wait3A_40] : memref<10112x16xf32, #tpu.memory_space<vmem_shared>> -> memref<10112x16xf32, #tpu.memory_space<vmem_shared>>
    tpu.wait_indirect_dma semaphore(%arg21 : memref<!tpu.dma_semaphore, #tpu.memory_space<semaphore_mem>>) src(%arg11 : memref<80x16xf32, #tpu.memory_space<vmem>>) dst(%dma_wait3A_41 : memref<10112x16xf32, #tpu.memory_space<vmem_shared>>)
    %dma_wait3A_42 = arith.constant 0 : i32
    %dma_wait3A_43 = tpu.memref_slice %arg7[%dma_wait3A_42] : memref<10000xi32, #tpu.memory_space<vmem>> -> memref<80xi32, #tpu.memory_space<vmem>>
    %dma_wait3A_44 = arith.constant 0 : i32
    %dma_wait3A_45 = arith.constant 0 : i32
    %dma_wait3A_46 = tpu.memref_slice %arg23[%dma_wait3A_44, %dma_wait3A_45] : memref<10112x16xf32, #tpu.memory_space<vmem_shared>> -> memref<10112x16xf32, #tpu.memory_space<vmem_shared>>
    tpu.wait_indirect_dma semaphore(%arg22 : memref<!tpu.dma_semaphore, #tpu.memory_space<semaphore_mem>>) src(%arg12 : memref<80x16xf32, #tpu.memory_space<vmem>>) dst(%dma_wait3A_46 : memref<10112x16xf32, #tpu.memory_space<vmem_shared>>)
    %barrier3A_47 = arith.constant 0 : index
    tpu.barrier barrier_id(%barrier3A_47)
    %mul3A_48 = arith.constant 632 : i32
    %mul3A_49 = arith.muli %arg1, %mul3A_48 : i32
    %mul3A_50 = arith.constant 632 : i32
    %mul3A_51 = arith.muli %arg1, %mul3A_50 : i32
    "tpu.region"() ({
      %run_scoped3A_52 = tpu.sem_alloc : memref<!tpu.dma_semaphore, #tpu.memory_space<semaphore_mem>>
      %dma_start3A = arith.constant 0 : i32
      %dma_start3A_53 = tpu.memref_slice %arg5[%arg0, %mul3A_51, %dma_start3A] : memref<2x10112x16xf32, #tpu.memory_space<hbm>> -> memref<1x632x16xf32, #tpu.memory_space<hbm>>
      %dma_start3A_54 = tpu.memref_squeeze %dma_start3A_53 : memref<1x632x16xf32, #tpu.memory_space<hbm>> -> memref<632x16xf32, #tpu.memory_space<hbm>>
      %dma_start3A_55 = arith.constant 0 : i32
      %dma_start3A_56 = tpu.memref_slice %arg23[%mul3A_49, %dma_start3A_55] : memref<10112x16xf32, #tpu.memory_space<vmem_shared>> -> memref<632x16xf32, #tpu.memory_space<vmem_shared>>
      tpu.enqueue_dma source(%dma_start3A_56 : memref<632x16xf32, #tpu.memory_space<vmem_shared>>) target(%dma_start3A_54 : memref<632x16xf32, #tpu.memory_space<hbm>>) target_semaphore(%run_scoped3A_52 : memref<!tpu.dma_semaphore, #tpu.memory_space<semaphore_mem>>)
      %dma_wait3A_57 = arith.constant 0 : i32
      %dma_wait3A_58 = tpu.memref_slice %arg5[%arg0, %mul3A_51, %dma_wait3A_57] : memref<2x10112x16xf32, #tpu.memory_space<hbm>> -> memref<1x632x16xf32, #tpu.memory_space<hbm>>
      %dma_wait3A_59 = tpu.memref_squeeze %dma_wait3A_58 : memref<1x632x16xf32, #tpu.memory_space<hbm>> -> memref<632x16xf32, #tpu.memory_space<hbm>>
      %dma_wait3A_60 = arith.constant 0 : i32
      %dma_wait3A_61 = tpu.memref_slice %arg23[%mul3A_49, %dma_wait3A_60] : memref<10112x16xf32, #tpu.memory_space<vmem_shared>> -> memref<632x16xf32, #tpu.memory_space<vmem_shared>>
      tpu.wait_dma2 semaphore(%run_scoped3A_52 : memref<!tpu.dma_semaphore, #tpu.memory_space<semaphore_mem>>) src(%dma_wait3A_61 : memref<632x16xf32, #tpu.memory_space<vmem_shared>>) dst(%dma_wait3A_59 : memref<632x16xf32, #tpu.memory_space<hbm>>)
      tpu.yield
    }) : () -> ()
    return
  }
}

#map = affine_map<(d0, d1) -> (0, 0)>
#map1 = affine_map<(d0, d1) -> (0, 0, 0)>
module attributes {stable_mosaic.version = 14 : i64} {
  func.func @_deg_sc(%arg0: i32, %arg1: i32, %arg2: memref<2x320000xi32, #tpu.memory_space<hbm>>, %arg3: memref<80x8xf32, #tpu.memory_space<hbm>>, %arg4: memref<10112x8xf32, #tpu.memory_space<hbm>>, %arg5: memref<2x10112x8xf32, #tpu.memory_space<hbm>>, %arg6: memref<10000xi32, #tpu.memory_space<vmem>>, %arg7: memref<80x8xf32, #tpu.memory_space<vmem>>, %arg8: memref<10112x8xf32, #tpu.memory_space<vmem_shared>>, %arg9: memref<!tpu.dma_semaphore, #tpu.memory_space<semaphore_mem>>) attributes {dimension_semantics = [#tpu.dimension_semantics<core_parallel>, #tpu.dimension_semantics<subcore_parallel>], iteration_bounds = array<i64: 2, 16>, scalar_prefetch = 0 : i64, scratch_operands = 4 : i64, tpu.core_type = #tpu.core_type<sc_vector_subcore>, window_params = [{transform_indices = #map}, {transform_indices = #map}, {transform_indices = #map}, {transform_indices = #map1}]} {
    %mul3A = arith.constant 16 : i32
    %mul3A_0 = arith.muli %arg0, %mul3A : i32
    %add3A = arith.addi %mul3A_0, %arg1 : i32
    %mul3A_1 = arith.constant 632 : i32
    %mul3A_2 = arith.muli %arg1, %mul3A_1 : i32
    %mul3A_3 = arith.constant 632 : i32
    %mul3A_4 = arith.muli %arg1, %mul3A_3 : i32
    "tpu.region"() ({
      %run_scoped3A_25 = tpu.sem_alloc : memref<!tpu.dma_semaphore, #tpu.memory_space<semaphore_mem>>
      %dma_start3A = arith.constant 0 : i32
      %dma_start3A_26 = tpu.memref_slice %arg8[%mul3A_4, %dma_start3A] : memref<10112x8xf32, #tpu.memory_space<vmem_shared>> -> memref<632x8xf32, #tpu.memory_space<vmem_shared>>
      %dma_start3A_27 = arith.constant 0 : i32
      %dma_start3A_28 = tpu.memref_slice %arg4[%mul3A_2, %dma_start3A_27] : memref<10112x8xf32, #tpu.memory_space<hbm>> -> memref<632x8xf32, #tpu.memory_space<hbm>>
      tpu.enqueue_dma source(%dma_start3A_28 : memref<632x8xf32, #tpu.memory_space<hbm>>) target(%dma_start3A_26 : memref<632x8xf32, #tpu.memory_space<vmem_shared>>) target_semaphore(%run_scoped3A_25 : memref<!tpu.dma_semaphore, #tpu.memory_space<semaphore_mem>>)
      %dma_wait3A = arith.constant 0 : i32
      %dma_wait3A_29 = tpu.memref_slice %arg8[%mul3A_4, %dma_wait3A] : memref<10112x8xf32, #tpu.memory_space<vmem_shared>> -> memref<632x8xf32, #tpu.memory_space<vmem_shared>>
      %dma_wait3A_30 = arith.constant 0 : i32
      %dma_wait3A_31 = tpu.memref_slice %arg4[%mul3A_2, %dma_wait3A_30] : memref<10112x8xf32, #tpu.memory_space<hbm>> -> memref<632x8xf32, #tpu.memory_space<hbm>>
      tpu.wait_dma2 semaphore(%run_scoped3A_25 : memref<!tpu.dma_semaphore, #tpu.memory_space<semaphore_mem>>) src(%dma_wait3A_31 : memref<632x8xf32, #tpu.memory_space<hbm>>) dst(%dma_wait3A_29 : memref<632x8xf32, #tpu.memory_space<vmem_shared>>)
      tpu.yield
    }) : () -> ()
    %mul3A_5 = arith.constant 125 : i32
    %mul3A_6 = arith.muli %add3A, %mul3A_5 : i32
    %mul3A_7 = arith.constant 80 : i32
    %mul3A_8 = arith.muli %mul3A_6, %mul3A_7 : i32
    %run_scoped3A = arith.constant 1 : i32
    "tpu.region"() ({
      %run_scoped3A_25 = tpu.sem_alloc : memref<!tpu.dma_semaphore, #tpu.memory_space<semaphore_mem>>
      %dma_start3A = tpu.memref_slice %arg2[%run_scoped3A, %mul3A_8] : memref<2x320000xi32, #tpu.memory_space<hbm>> -> memref<1x10000xi32, #tpu.memory_space<hbm>>
      %dma_start3A_26 = tpu.memref_squeeze %dma_start3A : memref<1x10000xi32, #tpu.memory_space<hbm>> -> memref<10000xi32, #tpu.memory_space<hbm>>
      %dma_start3A_27 = tpu.memref_slice %arg2[%run_scoped3A, %mul3A_8] : memref<2x320000xi32, #tpu.memory_space<hbm>> -> memref<1x10000xi32, #tpu.memory_space<hbm>>
      %dma_start3A_28 = tpu.memref_squeeze %dma_start3A_27 : memref<1x10000xi32, #tpu.memory_space<hbm>> -> memref<10000xi32, #tpu.memory_space<hbm>>
      tpu.enqueue_dma source(%dma_start3A_28 : memref<10000xi32, #tpu.memory_space<hbm>>) target(%arg6 : memref<10000xi32, #tpu.memory_space<vmem>>) target_semaphore(%run_scoped3A_25 : memref<!tpu.dma_semaphore, #tpu.memory_space<semaphore_mem>>)
      %dma_wait3A = tpu.memref_slice %arg2[%run_scoped3A, %mul3A_8] : memref<2x320000xi32, #tpu.memory_space<hbm>> -> memref<1x10000xi32, #tpu.memory_space<hbm>>
      %dma_wait3A_29 = tpu.memref_squeeze %dma_wait3A : memref<1x10000xi32, #tpu.memory_space<hbm>> -> memref<10000xi32, #tpu.memory_space<hbm>>
      %dma_wait3A_30 = tpu.memref_slice %arg2[%run_scoped3A, %mul3A_8] : memref<2x320000xi32, #tpu.memory_space<hbm>> -> memref<1x10000xi32, #tpu.memory_space<hbm>>
      %dma_wait3A_31 = tpu.memref_squeeze %dma_wait3A_30 : memref<1x10000xi32, #tpu.memory_space<hbm>> -> memref<10000xi32, #tpu.memory_space<hbm>>
      tpu.wait_dma2 semaphore(%run_scoped3A_25 : memref<!tpu.dma_semaphore, #tpu.memory_space<semaphore_mem>>) src(%dma_wait3A_31 : memref<10000xi32, #tpu.memory_space<hbm>>) dst(%arg6 : memref<10000xi32, #tpu.memory_space<vmem>>)
      tpu.yield
    }) : () -> ()
    "tpu.region"() ({
      %run_scoped3A_25 = tpu.sem_alloc : memref<!tpu.dma_semaphore, #tpu.memory_space<semaphore_mem>>
      tpu.enqueue_dma source(%arg3 : memref<80x8xf32, #tpu.memory_space<hbm>>) target(%arg7 : memref<80x8xf32, #tpu.memory_space<vmem>>) target_semaphore(%run_scoped3A_25 : memref<!tpu.dma_semaphore, #tpu.memory_space<semaphore_mem>>)
      tpu.wait_dma2 semaphore(%run_scoped3A_25 : memref<!tpu.dma_semaphore, #tpu.memory_space<semaphore_mem>>) src(%arg3 : memref<80x8xf32, #tpu.memory_space<hbm>>) dst(%arg7 : memref<80x8xf32, #tpu.memory_space<vmem>>)
      tpu.yield
    }) : () -> ()
    %barrier3A = arith.constant 0 : index
    tpu.barrier barrier_id(%barrier3A)
    %scan3A = arith.constant 0 : i32
    %scan3A_9 = arith.constant 0 : i32
    %scan3A_10 = arith.constant 125 : i32
    %scan3A_11 = arith.addi %scan3A_9, %scan3A_10 : i32
    %scan3A_12 = arith.constant 1 : i32
    scf.for %scan3A_25 = %scan3A_9 to %scan3A_11 step %scan3A_12  : i32 {
      %mul3A_26 = arith.constant 80 : i32
      %mul3A_27 = arith.muli %scan3A_25, %mul3A_26 : i32
      %dma_start3A = tpu.memref_slice %arg6[%mul3A_27] : memref<10000xi32, #tpu.memory_space<vmem>> -> memref<80xi32, #tpu.memory_space<vmem>>
      %dma_start3A_28 = arith.constant 0 : i32
      %dma_start3A_29 = arith.constant 0 : i32
      %dma_start3A_30 = tpu.memref_slice %arg8[%dma_start3A_28, %dma_start3A_29] : memref<10112x8xf32, #tpu.memory_space<vmem_shared>> -> memref<10112x8xf32, #tpu.memory_space<vmem_shared>>
      tpu.enqueue_indirect_dma source(%arg7 : memref<80x8xf32, #tpu.memory_space<vmem>>) target(%dma_start3A_30 : memref<10112x8xf32, #tpu.memory_space<vmem_shared>>) offsets(%dma_start3A : memref<80xi32, #tpu.memory_space<vmem>>) semaphore(%arg9 : memref<!tpu.dma_semaphore, #tpu.memory_space<semaphore_mem>>) {add = true}
    }
    %scan3A_13 = arith.constant 125 : i32
    %scan3A_14 = arith.constant 0 : i32
    %scan3A_15 = arith.constant 0 : i32
    %scan3A_16 = arith.constant 125 : i32
    %scan3A_17 = arith.addi %scan3A_15, %scan3A_16 : i32
    %scan3A_18 = arith.constant 1 : i32
    scf.for %scan3A_25 = %scan3A_15 to %scan3A_17 step %scan3A_18  : i32 {
      %dma_wait3A = arith.constant 0 : i32
      %dma_wait3A_26 = tpu.memref_slice %arg6[%dma_wait3A] : memref<10000xi32, #tpu.memory_space<vmem>> -> memref<80xi32, #tpu.memory_space<vmem>>
      %dma_wait3A_27 = arith.constant 0 : i32
      %dma_wait3A_28 = arith.constant 0 : i32
      %dma_wait3A_29 = tpu.memref_slice %arg8[%dma_wait3A_27, %dma_wait3A_28] : memref<10112x8xf32, #tpu.memory_space<vmem_shared>> -> memref<10112x8xf32, #tpu.memory_space<vmem_shared>>
      tpu.wait_indirect_dma semaphore(%arg9 : memref<!tpu.dma_semaphore, #tpu.memory_space<semaphore_mem>>) src(%arg7 : memref<80x8xf32, #tpu.memory_space<vmem>>) dst(%dma_wait3A_29 : memref<10112x8xf32, #tpu.memory_space<vmem_shared>>)
    }
    %scan3A_19 = arith.constant 125 : i32
    %barrier3A_20 = arith.constant 0 : index
    tpu.barrier barrier_id(%barrier3A_20)
    %mul3A_21 = arith.constant 632 : i32
    %mul3A_22 = arith.muli %arg1, %mul3A_21 : i32
    %mul3A_23 = arith.constant 632 : i32
    %mul3A_24 = arith.muli %arg1, %mul3A_23 : i32
    "tpu.region"() ({
      %run_scoped3A_25 = tpu.sem_alloc : memref<!tpu.dma_semaphore, #tpu.memory_space<semaphore_mem>>
      %dma_start3A = arith.constant 0 : i32
      %dma_start3A_26 = tpu.memref_slice %arg5[%arg0, %mul3A_24, %dma_start3A] : memref<2x10112x8xf32, #tpu.memory_space<hbm>> -> memref<1x632x8xf32, #tpu.memory_space<hbm>>
      %dma_start3A_27 = tpu.memref_squeeze %dma_start3A_26 : memref<1x632x8xf32, #tpu.memory_space<hbm>> -> memref<632x8xf32, #tpu.memory_space<hbm>>
      %dma_start3A_28 = arith.constant 0 : i32
      %dma_start3A_29 = tpu.memref_slice %arg8[%mul3A_22, %dma_start3A_28] : memref<10112x8xf32, #tpu.memory_space<vmem_shared>> -> memref<632x8xf32, #tpu.memory_space<vmem_shared>>
      tpu.enqueue_dma source(%dma_start3A_29 : memref<632x8xf32, #tpu.memory_space<vmem_shared>>) target(%dma_start3A_27 : memref<632x8xf32, #tpu.memory_space<hbm>>) target_semaphore(%run_scoped3A_25 : memref<!tpu.dma_semaphore, #tpu.memory_space<semaphore_mem>>)
      %dma_wait3A = arith.constant 0 : i32
      %dma_wait3A_30 = tpu.memref_slice %arg5[%arg0, %mul3A_24, %dma_wait3A] : memref<2x10112x8xf32, #tpu.memory_space<hbm>> -> memref<1x632x8xf32, #tpu.memory_space<hbm>>
      %dma_wait3A_31 = tpu.memref_squeeze %dma_wait3A_30 : memref<1x632x8xf32, #tpu.memory_space<hbm>> -> memref<632x8xf32, #tpu.memory_space<hbm>>
      %dma_wait3A_32 = arith.constant 0 : i32
      %dma_wait3A_33 = tpu.memref_slice %arg8[%mul3A_22, %dma_wait3A_32] : memref<10112x8xf32, #tpu.memory_space<vmem_shared>> -> memref<632x8xf32, #tpu.memory_space<vmem_shared>>
      tpu.wait_dma2 semaphore(%run_scoped3A_25 : memref<!tpu.dma_semaphore, #tpu.memory_space<semaphore_mem>>) src(%dma_wait3A_33 : memref<632x8xf32, #tpu.memory_space<vmem_shared>>) dst(%dma_wait3A_31 : memref<632x8xf32, #tpu.memory_space<hbm>>)
      tpu.yield
    }) : () -> ()
    return
  }
}

#map = affine_map<(d0, d1) -> (0, 0)>
#map1 = affine_map<(d0, d1) -> (0, 0, 0)>
module attributes {stable_mosaic.version = 14 : i64} {
  func.func @_prop_sc(%arg0: i32, %arg1: i32, %arg2: memref<10112x16xf32, #tpu.memory_space<hbm>>, %arg3: memref<2x320000xi32, #tpu.memory_space<hbm>>, %arg4: memref<10112x16xf32, #tpu.memory_space<hbm>>, %arg5: memref<2x10112x16xf32, #tpu.memory_space<hbm>>, %arg6: memref<10000xi32, #tpu.memory_space<vmem>>, %arg7: memref<10000xi32, #tpu.memory_space<vmem>>, %arg8: memref<80x16xf32, #tpu.memory_space<vmem>>, %arg9: memref<80x16xf32, #tpu.memory_space<vmem>>, %arg10: memref<80x16xf32, #tpu.memory_space<vmem>>, %arg11: memref<80x16xf32, #tpu.memory_space<vmem>>, %arg12: memref<80x16xf32, #tpu.memory_space<vmem>>, %arg13: memref<!tpu.dma_semaphore, #tpu.memory_space<semaphore_mem>>, %arg14: memref<!tpu.dma_semaphore, #tpu.memory_space<semaphore_mem>>, %arg15: memref<!tpu.dma_semaphore, #tpu.memory_space<semaphore_mem>>, %arg16: memref<!tpu.dma_semaphore, #tpu.memory_space<semaphore_mem>>, %arg17: memref<!tpu.dma_semaphore, #tpu.memory_space<semaphore_mem>>, %arg18: memref<!tpu.dma_semaphore, #tpu.memory_space<semaphore_mem>>, %arg19: memref<!tpu.dma_semaphore, #tpu.memory_space<semaphore_mem>>, %arg20: memref<!tpu.dma_semaphore, #tpu.memory_space<semaphore_mem>>, %arg21: memref<!tpu.dma_semaphore, #tpu.memory_space<semaphore_mem>>, %arg22: memref<!tpu.dma_semaphore, #tpu.memory_space<semaphore_mem>>, %arg23: memref<10112x16xf32, #tpu.memory_space<vmem_shared>>, %arg24: memref<10112x16xf32, #tpu.memory_space<vmem_shared>>) attributes {dimension_semantics = [#tpu.dimension_semantics<core_parallel>, #tpu.dimension_semantics<subcore_parallel>], iteration_bounds = array<i64: 2, 16>, scalar_prefetch = 0 : i64, scratch_operands = 19 : i64, tpu.core_type = #tpu.core_type<sc_vector_subcore>, window_params = [{transform_indices = #map}, {transform_indices = #map}, {transform_indices = #map}, {transform_indices = #map1}]} {
    %mul3A = arith.constant 16 : i32
    %mul3A_0 = arith.muli %arg0, %mul3A : i32
    %add3A = arith.addi %mul3A_0, %arg1 : i32
    %mul3A_1 = arith.constant 632 : i32
    %mul3A_2 = arith.muli %arg1, %mul3A_1 : i32
    %mul3A_3 = arith.constant 632 : i32
    %mul3A_4 = arith.muli %arg1, %mul3A_3 : i32
    "tpu.region"() ({
      %run_scoped3A_52 = tpu.sem_alloc : memref<!tpu.dma_semaphore, #tpu.memory_space<semaphore_mem>>
      %dma_start3A = arith.constant 0 : i32
      %dma_start3A_53 = tpu.memref_slice %arg23[%mul3A_4, %dma_start3A] : memref<10112x16xf32, #tpu.memory_space<vmem_shared>> -> memref<632x16xf32, #tpu.memory_space<vmem_shared>>
      %dma_start3A_54 = arith.constant 0 : i32
      %dma_start3A_55 = tpu.memref_slice %arg4[%mul3A_2, %dma_start3A_54] : memref<10112x16xf32, #tpu.memory_space<hbm>> -> memref<632x16xf32, #tpu.memory_space<hbm>>
      tpu.enqueue_dma source(%dma_start3A_55 : memref<632x16xf32, #tpu.memory_space<hbm>>) target(%dma_start3A_53 : memref<632x16xf32, #tpu.memory_space<vmem_shared>>) target_semaphore(%run_scoped3A_52 : memref<!tpu.dma_semaphore, #tpu.memory_space<semaphore_mem>>)
      %dma_wait3A_56 = arith.constant 0 : i32
      %dma_wait3A_57 = tpu.memref_slice %arg23[%mul3A_4, %dma_wait3A_56] : memref<10112x16xf32, #tpu.memory_space<vmem_shared>> -> memref<632x16xf32, #tpu.memory_space<vmem_shared>>
      %dma_wait3A_58 = arith.constant 0 : i32
      %dma_wait3A_59 = tpu.memref_slice %arg4[%mul3A_2, %dma_wait3A_58] : memref<10112x16xf32, #tpu.memory_space<hbm>> -> memref<632x16xf32, #tpu.memory_space<hbm>>
      tpu.wait_dma2 semaphore(%run_scoped3A_52 : memref<!tpu.dma_semaphore, #tpu.memory_space<semaphore_mem>>) src(%dma_wait3A_59 : memref<632x16xf32, #tpu.memory_space<hbm>>) dst(%dma_wait3A_57 : memref<632x16xf32, #tpu.memory_space<vmem_shared>>)
      tpu.yield
    }) : () -> ()
    %mul3A_5 = arith.constant 632 : i32
    %mul3A_6 = arith.muli %arg1, %mul3A_5 : i32
    %mul3A_7 = arith.constant 632 : i32
    %mul3A_8 = arith.muli %arg1, %mul3A_7 : i32
    "tpu.region"() ({
      %run_scoped3A_52 = tpu.sem_alloc : memref<!tpu.dma_semaphore, #tpu.memory_space<semaphore_mem>>
      %dma_start3A = arith.constant 0 : i32
      %dma_start3A_53 = tpu.memref_slice %arg24[%mul3A_8, %dma_start3A] : memref<10112x16xf32, #tpu.memory_space<vmem_shared>> -> memref<632x16xf32, #tpu.memory_space<vmem_shared>>
      %dma_start3A_54 = arith.constant 0 : i32
      %dma_start3A_55 = tpu.memref_slice %arg2[%mul3A_6, %dma_start3A_54] : memref<10112x16xf32, #tpu.memory_space<hbm>> -> memref<632x16xf32, #tpu.memory_space<hbm>>
      tpu.enqueue_dma source(%dma_start3A_55 : memref<632x16xf32, #tpu.memory_space<hbm>>) target(%dma_start3A_53 : memref<632x16xf32, #tpu.memory_space<vmem_shared>>) target_semaphore(%run_scoped3A_52 : memref<!tpu.dma_semaphore, #tpu.memory_space<semaphore_mem>>)
      %dma_wait3A_56 = arith.constant 0 : i32
      %dma_wait3A_57 = tpu.memref_slice %arg24[%mul3A_8, %dma_wait3A_56] : memref<10112x16xf32, #tpu.memory_space<vmem_shared>> -> memref<632x16xf32, #tpu.memory_space<vmem_shared>>
      %dma_wait3A_58 = arith.constant 0 : i32
      %dma_wait3A_59 = tpu.memref_slice %arg2[%mul3A_6, %dma_wait3A_58] : memref<10112x16xf32, #tpu.memory_space<hbm>> -> memref<632x16xf32, #tpu.memory_space<hbm>>
      tpu.wait_dma2 semaphore(%run_scoped3A_52 : memref<!tpu.dma_semaphore, #tpu.memory_space<semaphore_mem>>) src(%dma_wait3A_59 : memref<632x16xf32, #tpu.memory_space<hbm>>) dst(%dma_wait3A_57 : memref<632x16xf32, #tpu.memory_space<vmem_shared>>)
      tpu.yield
    }) : () -> ()
    %mul3A_9 = arith.constant 125 : i32
    %mul3A_10 = arith.muli %add3A, %mul3A_9 : i32
    %mul3A_11 = arith.constant 80 : i32
    %mul3A_12 = arith.muli %mul3A_10, %mul3A_11 : i32
    %run_scoped3A = arith.constant 0 : i32
    "tpu.region"() ({
      %run_scoped3A_52 = tpu.sem_alloc : memref<!tpu.dma_semaphore, #tpu.memory_space<semaphore_mem>>
      %dma_start3A = tpu.memref_slice %arg3[%run_scoped3A, %mul3A_12] : memref<2x320000xi32, #tpu.memory_space<hbm>> -> memref<1x10000xi32, #tpu.memory_space<hbm>>
      %dma_start3A_53 = tpu.memref_squeeze %dma_start3A : memref<1x10000xi32, #tpu.memory_space<hbm>> -> memref<10000xi32, #tpu.memory_space<hbm>>
      %dma_start3A_54 = tpu.memref_slice %arg3[%run_scoped3A, %mul3A_12] : memref<2x320000xi32, #tpu.memory_space<hbm>> -> memref<1x10000xi32, #tpu.memory_space<hbm>>
      %dma_start3A_55 = tpu.memref_squeeze %dma_start3A_54 : memref<1x10000xi32, #tpu.memory_space<hbm>> -> memref<10000xi32, #tpu.memory_space<hbm>>
      tpu.enqueue_dma source(%dma_start3A_55 : memref<10000xi32, #tpu.memory_space<hbm>>) target(%arg6 : memref<10000xi32, #tpu.memory_space<vmem>>) target_semaphore(%run_scoped3A_52 : memref<!tpu.dma_semaphore, #tpu.memory_space<semaphore_mem>>)
      %dma_wait3A_56 = tpu.memref_slice %arg3[%run_scoped3A, %mul3A_12] : memref<2x320000xi32, #tpu.memory_space<hbm>> -> memref<1x10000xi32, #tpu.memory_space<hbm>>
      %dma_wait3A_57 = tpu.memref_squeeze %dma_wait3A_56 : memref<1x10000xi32, #tpu.memory_space<hbm>> -> memref<10000xi32, #tpu.memory_space<hbm>>
      %dma_wait3A_58 = tpu.memref_slice %arg3[%run_scoped3A, %mul3A_12] : memref<2x320000xi32, #tpu.memory_space<hbm>> -> memref<1x10000xi32, #tpu.memory_space<hbm>>
      %dma_wait3A_59 = tpu.memref_squeeze %dma_wait3A_58 : memref<1x10000xi32, #tpu.memory_space<hbm>> -> memref<10000xi32, #tpu.memory_space<hbm>>
      tpu.wait_dma2 semaphore(%run_scoped3A_52 : memref<!tpu.dma_semaphore, #tpu.memory_space<semaphore_mem>>) src(%dma_wait3A_59 : memref<10000xi32, #tpu.memory_space<hbm>>) dst(%arg6 : memref<10000xi32, #tpu.memory_space<vmem>>)
      tpu.yield
    }) : () -> ()
    %mul3A_13 = arith.constant 125 : i32
    %mul3A_14 = arith.muli %add3A, %mul3A_13 : i32
    %mul3A_15 = arith.constant 80 : i32
    %mul3A_16 = arith.muli %mul3A_14, %mul3A_15 : i32
    %run_scoped3A_17 = arith.constant 1 : i32
    "tpu.region"() ({
      %run_scoped3A_52 = tpu.sem_alloc : memref<!tpu.dma_semaphore, #tpu.memory_space<semaphore_mem>>
      %dma_start3A = tpu.memref_slice %arg3[%run_scoped3A_17, %mul3A_16] : memref<2x320000xi32, #tpu.memory_space<hbm>> -> memref<1x10000xi32, #tpu.memory_space<hbm>>
      %dma_start3A_53 = tpu.memref_squeeze %dma_start3A : memref<1x10000xi32, #tpu.memory_space<hbm>> -> memref<10000xi32, #tpu.memory_space<hbm>>
      %dma_start3A_54 = tpu.memref_slice %arg3[%run_scoped3A_17, %mul3A_16] : memref<2x320000xi32, #tpu.memory_space<hbm>> -> memref<1x10000xi32, #tpu.memory_space<hbm>>
      %dma_start3A_55 = tpu.memref_squeeze %dma_start3A_54 : memref<1x10000xi32, #tpu.memory_space<hbm>> -> memref<10000xi32, #tpu.memory_space<hbm>>
      tpu.enqueue_dma source(%dma_start3A_55 : memref<10000xi32, #tpu.memory_space<hbm>>) target(%arg7 : memref<10000xi32, #tpu.memory_space<vmem>>) target_semaphore(%run_scoped3A_52 : memref<!tpu.dma_semaphore, #tpu.memory_space<semaphore_mem>>)
      %dma_wait3A_56 = tpu.memref_slice %arg3[%run_scoped3A_17, %mul3A_16] : memref<2x320000xi32, #tpu.memory_space<hbm>> -> memref<1x10000xi32, #tpu.memory_space<hbm>>
      %dma_wait3A_57 = tpu.memref_squeeze %dma_wait3A_56 : memref<1x10000xi32, #tpu.memory_space<hbm>> -> memref<10000xi32, #tpu.memory_space<hbm>>
      %dma_wait3A_58 = tpu.memref_slice %arg3[%run_scoped3A_17, %mul3A_16] : memref<2x320000xi32, #tpu.memory_space<hbm>> -> memref<1x10000xi32, #tpu.memory_space<hbm>>
      %dma_wait3A_59 = tpu.memref_squeeze %dma_wait3A_58 : memref<1x10000xi32, #tpu.memory_space<hbm>> -> memref<10000xi32, #tpu.memory_space<hbm>>
      tpu.wait_dma2 semaphore(%run_scoped3A_52 : memref<!tpu.dma_semaphore, #tpu.memory_space<semaphore_mem>>) src(%dma_wait3A_59 : memref<10000xi32, #tpu.memory_space<hbm>>) dst(%arg7 : memref<10000xi32, #tpu.memory_space<vmem>>)
      tpu.yield
    }) : () -> ()
    %barrier3A = arith.constant 0 : index
    tpu.barrier barrier_id(%barrier3A)
    %scan3A = arith.constant 0 : i32
    %scan3A_18 = arith.constant 0 : i32
    %scan3A_19 = arith.constant 25 : i32
    %scan3A_20 = arith.addi %scan3A_18, %scan3A_19 : i32
    %scan3A_21 = arith.constant 1 : i32
    scf.for %scan3A_52 = %scan3A_18 to %scan3A_20 step %scan3A_21  : i32 {
      %mul3A_53 = arith.constant 5 : i32
      %mul3A_54 = arith.muli %scan3A_52, %mul3A_53 : i32
      %mul3A_55 = arith.constant 80 : i32
      %mul3A_56 = arith.muli %mul3A_54, %mul3A_55 : i32
      %gt3A = arith.constant 0 : i32
      %gt3A_57 = arith.cmpi sgt, %scan3A_52, %gt3A : i32
      %convert_element_type3A = arith.extui %gt3A_57 : i1 to i32
      %cond3A = arith.constant 0 : i32
      %cond3A_58 = arith.cmpi ne, %convert_element_type3A, %cond3A : i32
      scf.if %cond3A_58 {
        %dma_wait3A_138 = arith.constant 0 : i32
        %dma_wait3A_139 = tpu.memref_slice %arg7[%dma_wait3A_138] : memref<10000xi32, #tpu.memory_space<vmem>> -> memref<80xi32, #tpu.memory_space<vmem>>
        %dma_wait3A_140 = arith.constant 0 : i32
        %dma_wait3A_141 = arith.constant 0 : i32
        %dma_wait3A_142 = tpu.memref_slice %arg23[%dma_wait3A_140, %dma_wait3A_141] : memref<10112x16xf32, #tpu.memory_space<vmem_shared>> -> memref<10112x16xf32, #tpu.memory_space<vmem_shared>>
        tpu.wait_indirect_dma semaphore(%arg18 : memref<!tpu.dma_semaphore, #tpu.memory_space<semaphore_mem>>) src(%arg8 : memref<80x16xf32, #tpu.memory_space<vmem>>) dst(%dma_wait3A_142 : memref<10112x16xf32, #tpu.memory_space<vmem_shared>>)
        %dma_wait3A_143 = arith.constant 0 : i32
        %dma_wait3A_144 = tpu.memref_slice %arg7[%dma_wait3A_143] : memref<10000xi32, #tpu.memory_space<vmem>> -> memref<80xi32, #tpu.memory_space<vmem>>
        %dma_wait3A_145 = arith.constant 0 : i32
        %dma_wait3A_146 = arith.constant 0 : i32
        %dma_wait3A_147 = tpu.memref_slice %arg23[%dma_wait3A_145, %dma_wait3A_146] : memref<10112x16xf32, #tpu.memory_space<vmem_shared>> -> memref<10112x16xf32, #tpu.memory_space<vmem_shared>>
        tpu.wait_indirect_dma semaphore(%arg19 : memref<!tpu.dma_semaphore, #tpu.memory_space<semaphore_mem>>) src(%arg9 : memref<80x16xf32, #tpu.memory_space<vmem>>) dst(%dma_wait3A_147 : memref<10112x16xf32, #tpu.memory_space<vmem_shared>>)
        %dma_wait3A_148 = arith.constant 0 : i32
        %dma_wait3A_149 = tpu.memref_slice %arg7[%dma_wait3A_148] : memref<10000xi32, #tpu.memory_space<vmem>> -> memref<80xi32, #tpu.memory_space<vmem>>
        %dma_wait3A_150 = arith.constant 0 : i32
        %dma_wait3A_151 = arith.constant 0 : i32
        %dma_wait3A_152 = tpu.memref_slice %arg23[%dma_wait3A_150, %dma_wait3A_151] : memref<10112x16xf32, #tpu.memory_space<vmem_shared>> -> memref<10112x16xf32, #tpu.memory_space<vmem_shared>>
        tpu.wait_indirect_dma semaphore(%arg20 : memref<!tpu.dma_semaphore, #tpu.memory_space<semaphore_mem>>) src(%arg10 : memref<80x16xf32, #tpu.memory_space<vmem>>) dst(%dma_wait3A_152 : memref<10112x16xf32, #tpu.memory_space<vmem_shared>>)
        %dma_wait3A_153 = arith.constant 0 : i32
        %dma_wait3A_154 = tpu.memref_slice %arg7[%dma_wait3A_153] : memref<10000xi32, #tpu.memory_space<vmem>> -> memref<80xi32, #tpu.memory_space<vmem>>
        %dma_wait3A_155 = arith.constant 0 : i32
        %dma_wait3A_156 = arith.constant 0 : i32
        %dma_wait3A_157 = tpu.memref_slice %arg23[%dma_wait3A_155, %dma_wait3A_156] : memref<10112x16xf32, #tpu.memory_space<vmem_shared>> -> memref<10112x16xf32, #tpu.memory_space<vmem_shared>>
        tpu.wait_indirect_dma semaphore(%arg21 : memref<!tpu.dma_semaphore, #tpu.memory_space<semaphore_mem>>) src(%arg11 : memref<80x16xf32, #tpu.memory_space<vmem>>) dst(%dma_wait3A_157 : memref<10112x16xf32, #tpu.memory_space<vmem_shared>>)
        %dma_wait3A_158 = arith.constant 0 : i32
        %dma_wait3A_159 = tpu.memref_slice %arg7[%dma_wait3A_158] : memref<10000xi32, #tpu.memory_space<vmem>> -> memref<80xi32, #tpu.memory_space<vmem>>
        %dma_wait3A_160 = arith.constant 0 : i32
        %dma_wait3A_161 = arith.constant 0 : i32
        %dma_wait3A_162 = tpu.memref_slice %arg23[%dma_wait3A_160, %dma_wait3A_161] : memref<10112x16xf32, #tpu.memory_space<vmem_shared>> -> memref<10112x16xf32, #tpu.memory_space<vmem_shared>>
        tpu.wait_indirect_dma semaphore(%arg22 : memref<!tpu.dma_semaphore, #tpu.memory_space<semaphore_mem>>) src(%arg12 : memref<80x16xf32, #tpu.memory_space<vmem>>) dst(%dma_wait3A_162 : memref<10112x16xf32, #tpu.memory_space<vmem_shared>>)
      } else {
      }
      %add3A_59 = arith.constant 0 : i32
      %add3A_60 = arith.addi %mul3A_56, %add3A_59 : i32
      %dma_start3A = tpu.memref_slice %arg6[%add3A_60] : memref<10000xi32, #tpu.memory_space<vmem>> -> memref<80xi32, #tpu.memory_space<vmem>>
      %dma_start3A_61 = arith.constant 0 : i32
      %dma_start3A_62 = arith.constant 0 : i32
      %dma_start3A_63 = tpu.memref_slice %arg24[%dma_start3A_61, %dma_start3A_62] : memref<10112x16xf32, #tpu.memory_space<vmem_shared>> -> memref<10112x16xf32, #tpu.memory_space<vmem_shared>>
      tpu.enqueue_indirect_dma source(%dma_start3A_63 : memref<10112x16xf32, #tpu.memory_space<vmem_shared>>) target(%arg8 : memref<80x16xf32, #tpu.memory_space<vmem>>) offsets(%dma_start3A : memref<80xi32, #tpu.memory_space<vmem>>) semaphore(%arg13 : memref<!tpu.dma_semaphore, #tpu.memory_space<semaphore_mem>>)
      %add3A_64 = arith.constant 80 : i32
      %add3A_65 = arith.addi %mul3A_56, %add3A_64 : i32
      %dma_start3A_66 = tpu.memref_slice %arg6[%add3A_65] : memref<10000xi32, #tpu.memory_space<vmem>> -> memref<80xi32, #tpu.memory_space<vmem>>
      %dma_start3A_67 = arith.constant 0 : i32
      %dma_start3A_68 = arith.constant 0 : i32
      %dma_start3A_69 = tpu.memref_slice %arg24[%dma_start3A_67, %dma_start3A_68] : memref<10112x16xf32, #tpu.memory_space<vmem_shared>> -> memref<10112x16xf32, #tpu.memory_space<vmem_shared>>
      tpu.enqueue_indirect_dma source(%dma_start3A_69 : memref<10112x16xf32, #tpu.memory_space<vmem_shared>>) target(%arg9 : memref<80x16xf32, #tpu.memory_space<vmem>>) offsets(%dma_start3A_66 : memref<80xi32, #tpu.memory_space<vmem>>) semaphore(%arg14 : memref<!tpu.dma_semaphore, #tpu.memory_space<semaphore_mem>>)
      %add3A_70 = arith.constant 160 : i32
      %add3A_71 = arith.addi %mul3A_56, %add3A_70 : i32
      %dma_start3A_72 = tpu.memref_slice %arg6[%add3A_71] : memref<10000xi32, #tpu.memory_space<vmem>> -> memref<80xi32, #tpu.memory_space<vmem>>
      %dma_start3A_73 = arith.constant 0 : i32
      %dma_start3A_74 = arith.constant 0 : i32
      %dma_start3A_75 = tpu.memref_slice %arg24[%dma_start3A_73, %dma_start3A_74] : memref<10112x16xf32, #tpu.memory_space<vmem_shared>> -> memref<10112x16xf32, #tpu.memory_space<vmem_shared>>
      tpu.enqueue_indirect_dma source(%dma_start3A_75 : memref<10112x16xf32, #tpu.memory_space<vmem_shared>>) target(%arg10 : memref<80x16xf32, #tpu.memory_space<vmem>>) offsets(%dma_start3A_72 : memref<80xi32, #tpu.memory_space<vmem>>) semaphore(%arg15 : memref<!tpu.dma_semaphore, #tpu.memory_space<semaphore_mem>>)
      %add3A_76 = arith.constant 240 : i32
      %add3A_77 = arith.addi %mul3A_56, %add3A_76 : i32
      %dma_start3A_78 = tpu.memref_slice %arg6[%add3A_77] : memref<10000xi32, #tpu.memory_space<vmem>> -> memref<80xi32, #tpu.memory_space<vmem>>
      %dma_start3A_79 = arith.constant 0 : i32
      %dma_start3A_80 = arith.constant 0 : i32
      %dma_start3A_81 = tpu.memref_slice %arg24[%dma_start3A_79, %dma_start3A_80] : memref<10112x16xf32, #tpu.memory_space<vmem_shared>> -> memref<10112x16xf32, #tpu.memory_space<vmem_shared>>
      tpu.enqueue_indirect_dma source(%dma_start3A_81 : memref<10112x16xf32, #tpu.memory_space<vmem_shared>>) target(%arg11 : memref<80x16xf32, #tpu.memory_space<vmem>>) offsets(%dma_start3A_78 : memref<80xi32, #tpu.memory_space<vmem>>) semaphore(%arg16 : memref<!tpu.dma_semaphore, #tpu.memory_space<semaphore_mem>>)
      %add3A_82 = arith.constant 320 : i32
      %add3A_83 = arith.addi %mul3A_56, %add3A_82 : i32
      %dma_start3A_84 = tpu.memref_slice %arg6[%add3A_83] : memref<10000xi32, #tpu.memory_space<vmem>> -> memref<80xi32, #tpu.memory_space<vmem>>
      %dma_start3A_85 = arith.constant 0 : i32
      %dma_start3A_86 = arith.constant 0 : i32
      %dma_start3A_87 = tpu.memref_slice %arg24[%dma_start3A_85, %dma_start3A_86] : memref<10112x16xf32, #tpu.memory_space<vmem_shared>> -> memref<10112x16xf32, #tpu.memory_space<vmem_shared>>
      tpu.enqueue_indirect_dma source(%dma_start3A_87 : memref<10112x16xf32, #tpu.memory_space<vmem_shared>>) target(%arg12 : memref<80x16xf32, #tpu.memory_space<vmem>>) offsets(%dma_start3A_84 : memref<80xi32, #tpu.memory_space<vmem>>) semaphore(%arg17 : memref<!tpu.dma_semaphore, #tpu.memory_space<semaphore_mem>>)
      %dma_wait3A_88 = tpu.memref_slice %arg6[%add3A_60] : memref<10000xi32, #tpu.memory_space<vmem>> -> memref<80xi32, #tpu.memory_space<vmem>>
      %dma_wait3A_89 = arith.constant 0 : i32
      %dma_wait3A_90 = arith.constant 0 : i32
      %dma_wait3A_91 = tpu.memref_slice %arg24[%dma_wait3A_89, %dma_wait3A_90] : memref<10112x16xf32, #tpu.memory_space<vmem_shared>> -> memref<10112x16xf32, #tpu.memory_space<vmem_shared>>
      tpu.wait_indirect_dma semaphore(%arg13 : memref<!tpu.dma_semaphore, #tpu.memory_space<semaphore_mem>>) src(%dma_wait3A_91 : memref<10112x16xf32, #tpu.memory_space<vmem_shared>>) dst(%arg8 : memref<80x16xf32, #tpu.memory_space<vmem>>)
      %add3A_92 = arith.constant 0 : i32
      %add3A_93 = arith.addi %mul3A_56, %add3A_92 : i32
      %dma_start3A_94 = tpu.memref_slice %arg7[%add3A_93] : memref<10000xi32, #tpu.memory_space<vmem>> -> memref<80xi32, #tpu.memory_space<vmem>>
      %dma_start3A_95 = arith.constant 0 : i32
      %dma_start3A_96 = arith.constant 0 : i32
      %dma_start3A_97 = tpu.memref_slice %arg23[%dma_start3A_95, %dma_start3A_96] : memref<10112x16xf32, #tpu.memory_space<vmem_shared>> -> memref<10112x16xf32, #tpu.memory_space<vmem_shared>>
      tpu.enqueue_indirect_dma source(%arg8 : memref<80x16xf32, #tpu.memory_space<vmem>>) target(%dma_start3A_97 : memref<10112x16xf32, #tpu.memory_space<vmem_shared>>) offsets(%dma_start3A_94 : memref<80xi32, #tpu.memory_space<vmem>>) semaphore(%arg18 : memref<!tpu.dma_semaphore, #tpu.memory_space<semaphore_mem>>) {add = true}
      %dma_wait3A_98 = tpu.memref_slice %arg6[%add3A_65] : memref<10000xi32, #tpu.memory_space<vmem>> -> memref<80xi32, #tpu.memory_space<vmem>>
      %dma_wait3A_99 = arith.constant 0 : i32
      %dma_wait3A_100 = arith.constant 0 : i32
      %dma_wait3A_101 = tpu.memref_slice %arg24[%dma_wait3A_99, %dma_wait3A_100] : memref<10112x16xf32, #tpu.memory_space<vmem_shared>> -> memref<10112x16xf32, #tpu.memory_space<vmem_shared>>
      tpu.wait_indirect_dma semaphore(%arg14 : memref<!tpu.dma_semaphore, #tpu.memory_space<semaphore_mem>>) src(%dma_wait3A_101 : memref<10112x16xf32, #tpu.memory_space<vmem_shared>>) dst(%arg9 : memref<80x16xf32, #tpu.memory_space<vmem>>)
      %add3A_102 = arith.constant 80 : i32
      %add3A_103 = arith.addi %mul3A_56, %add3A_102 : i32
      %dma_start3A_104 = tpu.memref_slice %arg7[%add3A_103] : memref<10000xi32, #tpu.memory_space<vmem>> -> memref<80xi32, #tpu.memory_space<vmem>>
      %dma_start3A_105 = arith.constant 0 : i32
      %dma_start3A_106 = arith.constant 0 : i32
      %dma_start3A_107 = tpu.memref_slice %arg23[%dma_start3A_105, %dma_start3A_106] : memref<10112x16xf32, #tpu.memory_space<vmem_shared>> -> memref<10112x16xf32, #tpu.memory_space<vmem_shared>>
      tpu.enqueue_indirect_dma source(%arg9 : memref<80x16xf32, #tpu.memory_space<vmem>>) target(%dma_start3A_107 : memref<10112x16xf32, #tpu.memory_space<vmem_shared>>) offsets(%dma_start3A_104 : memref<80xi32, #tpu.memory_space<vmem>>) semaphore(%arg19 : memref<!tpu.dma_semaphore, #tpu.memory_space<semaphore_mem>>) {add = true}
      %dma_wait3A_108 = tpu.memref_slice %arg6[%add3A_71] : memref<10000xi32, #tpu.memory_space<vmem>> -> memref<80xi32, #tpu.memory_space<vmem>>
      %dma_wait3A_109 = arith.constant 0 : i32
      %dma_wait3A_110 = arith.constant 0 : i32
      %dma_wait3A_111 = tpu.memref_slice %arg24[%dma_wait3A_109, %dma_wait3A_110] : memref<10112x16xf32, #tpu.memory_space<vmem_shared>> -> memref<10112x16xf32, #tpu.memory_space<vmem_shared>>
      tpu.wait_indirect_dma semaphore(%arg15 : memref<!tpu.dma_semaphore, #tpu.memory_space<semaphore_mem>>) src(%dma_wait3A_111 : memref<10112x16xf32, #tpu.memory_space<vmem_shared>>) dst(%arg10 : memref<80x16xf32, #tpu.memory_space<vmem>>)
      %add3A_112 = arith.constant 160 : i32
      %add3A_113 = arith.addi %mul3A_56, %add3A_112 : i32
      %dma_start3A_114 = tpu.memref_slice %arg7[%add3A_113] : memref<10000xi32, #tpu.memory_space<vmem>> -> memref<80xi32, #tpu.memory_space<vmem>>
      %dma_start3A_115 = arith.constant 0 : i32
      %dma_start3A_116 = arith.constant 0 : i32
      %dma_start3A_117 = tpu.memref_slice %arg23[%dma_start3A_115, %dma_start3A_116] : memref<10112x16xf32, #tpu.memory_space<vmem_shared>> -> memref<10112x16xf32, #tpu.memory_space<vmem_shared>>
      tpu.enqueue_indirect_dma source(%arg10 : memref<80x16xf32, #tpu.memory_space<vmem>>) target(%dma_start3A_117 : memref<10112x16xf32, #tpu.memory_space<vmem_shared>>) offsets(%dma_start3A_114 : memref<80xi32, #tpu.memory_space<vmem>>) semaphore(%arg20 : memref<!tpu.dma_semaphore, #tpu.memory_space<semaphore_mem>>) {add = true}
      %dma_wait3A_118 = tpu.memref_slice %arg6[%add3A_77] : memref<10000xi32, #tpu.memory_space<vmem>> -> memref<80xi32, #tpu.memory_space<vmem>>
      %dma_wait3A_119 = arith.constant 0 : i32
      %dma_wait3A_120 = arith.constant 0 : i32
      %dma_wait3A_121 = tpu.memref_slice %arg24[%dma_wait3A_119, %dma_wait3A_120] : memref<10112x16xf32, #tpu.memory_space<vmem_shared>> -> memref<10112x16xf32, #tpu.memory_space<vmem_shared>>
      tpu.wait_indirect_dma semaphore(%arg16 : memref<!tpu.dma_semaphore, #tpu.memory_space<semaphore_mem>>) src(%dma_wait3A_121 : memref<10112x16xf32, #tpu.memory_space<vmem_shared>>) dst(%arg11 : memref<80x16xf32, #tpu.memory_space<vmem>>)
      %add3A_122 = arith.constant 240 : i32
      %add3A_123 = arith.addi %mul3A_56, %add3A_122 : i32
      %dma_start3A_124 = tpu.memref_slice %arg7[%add3A_123] : memref<10000xi32, #tpu.memory_space<vmem>> -> memref<80xi32, #tpu.memory_space<vmem>>
      %dma_start3A_125 = arith.constant 0 : i32
      %dma_start3A_126 = arith.constant 0 : i32
      %dma_start3A_127 = tpu.memref_slice %arg23[%dma_start3A_125, %dma_start3A_126] : memref<10112x16xf32, #tpu.memory_space<vmem_shared>> -> memref<10112x16xf32, #tpu.memory_space<vmem_shared>>
      tpu.enqueue_indirect_dma source(%arg11 : memref<80x16xf32, #tpu.memory_space<vmem>>) target(%dma_start3A_127 : memref<10112x16xf32, #tpu.memory_space<vmem_shared>>) offsets(%dma_start3A_124 : memref<80xi32, #tpu.memory_space<vmem>>) semaphore(%arg21 : memref<!tpu.dma_semaphore, #tpu.memory_space<semaphore_mem>>) {add = true}
      %dma_wait3A_128 = tpu.memref_slice %arg6[%add3A_83] : memref<10000xi32, #tpu.memory_space<vmem>> -> memref<80xi32, #tpu.memory_space<vmem>>
      %dma_wait3A_129 = arith.constant 0 : i32
      %dma_wait3A_130 = arith.constant 0 : i32
      %dma_wait3A_131 = tpu.memref_slice %arg24[%dma_wait3A_129, %dma_wait3A_130] : memref<10112x16xf32, #tpu.memory_space<vmem_shared>> -> memref<10112x16xf32, #tpu.memory_space<vmem_shared>>
      tpu.wait_indirect_dma semaphore(%arg17 : memref<!tpu.dma_semaphore, #tpu.memory_space<semaphore_mem>>) src(%dma_wait3A_131 : memref<10112x16xf32, #tpu.memory_space<vmem_shared>>) dst(%arg12 : memref<80x16xf32, #tpu.memory_space<vmem>>)
      %add3A_132 = arith.constant 320 : i32
      %add3A_133 = arith.addi %mul3A_56, %add3A_132 : i32
      %dma_start3A_134 = tpu.memref_slice %arg7[%add3A_133] : memref<10000xi32, #tpu.memory_space<vmem>> -> memref<80xi32, #tpu.memory_space<vmem>>
      %dma_start3A_135 = arith.constant 0 : i32
      %dma_start3A_136 = arith.constant 0 : i32
      %dma_start3A_137 = tpu.memref_slice %arg23[%dma_start3A_135, %dma_start3A_136] : memref<10112x16xf32, #tpu.memory_space<vmem_shared>> -> memref<10112x16xf32, #tpu.memory_space<vmem_shared>>
      tpu.enqueue_indirect_dma source(%arg12 : memref<80x16xf32, #tpu.memory_space<vmem>>) target(%dma_start3A_137 : memref<10112x16xf32, #tpu.memory_space<vmem_shared>>) offsets(%dma_start3A_134 : memref<80xi32, #tpu.memory_space<vmem>>) semaphore(%arg22 : memref<!tpu.dma_semaphore, #tpu.memory_space<semaphore_mem>>) {add = true}
    }
    %scan3A_22 = arith.constant 25 : i32
    %dma_wait3A = arith.constant 0 : i32
    %dma_wait3A_23 = tpu.memref_slice %arg7[%dma_wait3A] : memref<10000xi32, #tpu.memory_space<vmem>> -> memref<80xi32, #tpu.memory_space<vmem>>
    %dma_wait3A_24 = arith.constant 0 : i32
    %dma_wait3A_25 = arith.constant 0 : i32
    %dma_wait3A_26 = tpu.memref_slice %arg23[%dma_wait3A_24, %dma_wait3A_25] : memref<10112x16xf32, #tpu.memory_space<vmem_shared>> -> memref<10112x16xf32, #tpu.memory_space<vmem_shared>>
    tpu.wait_indirect_dma semaphore(%arg18 : memref<!tpu.dma_semaphore, #tpu.memory_space<semaphore_mem>>) src(%arg8 : memref<80x16xf32, #tpu.memory_space<vmem>>) dst(%dma_wait3A_26 : memref<10112x16xf32, #tpu.memory_space<vmem_shared>>)
    %dma_wait3A_27 = arith.constant 0 : i32
    %dma_wait3A_28 = tpu.memref_slice %arg7[%dma_wait3A_27] : memref<10000xi32, #tpu.memory_space<vmem>> -> memref<80xi32, #tpu.memory_space<vmem>>
    %dma_wait3A_29 = arith.constant 0 : i32
    %dma_wait3A_30 = arith.constant 0 : i32
    %dma_wait3A_31 = tpu.memref_slice %arg23[%dma_wait3A_29, %dma_wait3A_30] : memref<10112x16xf32, #tpu.memory_space<vmem_shared>> -> memref<10112x16xf32, #tpu.memory_space<vmem_shared>>
    tpu.wait_indirect_dma semaphore(%arg19 : memref<!tpu.dma_semaphore, #tpu.memory_space<semaphore_mem>>) src(%arg9 : memref<80x16xf32, #tpu.memory_space<vmem>>) dst(%dma_wait3A_31 : memref<10112x16xf32, #tpu.memory_space<vmem_shared>>)
    %dma_wait3A_32 = arith.constant 0 : i32
    %dma_wait3A_33 = tpu.memref_slice %arg7[%dma_wait3A_32] : memref<10000xi32, #tpu.memory_space<vmem>> -> memref<80xi32, #tpu.memory_space<vmem>>
    %dma_wait3A_34 = arith.constant 0 : i32
    %dma_wait3A_35 = arith.constant 0 : i32
    %dma_wait3A_36 = tpu.memref_slice %arg23[%dma_wait3A_34, %dma_wait3A_35] : memref<10112x16xf32, #tpu.memory_space<vmem_shared>> -> memref<10112x16xf32, #tpu.memory_space<vmem_shared>>
    tpu.wait_indirect_dma semaphore(%arg20 : memref<!tpu.dma_semaphore, #tpu.memory_space<semaphore_mem>>) src(%arg10 : memref<80x16xf32, #tpu.memory_space<vmem>>) dst(%dma_wait3A_36 : memref<10112x16xf32, #tpu.memory_space<vmem_shared>>)
    %dma_wait3A_37 = arith.constant 0 : i32
    %dma_wait3A_38 = tpu.memref_slice %arg7[%dma_wait3A_37] : memref<10000xi32, #tpu.memory_space<vmem>> -> memref<80xi32, #tpu.memory_space<vmem>>
    %dma_wait3A_39 = arith.constant 0 : i32
    %dma_wait3A_40 = arith.constant 0 : i32
    %dma_wait3A_41 = tpu.memref_slice %arg23[%dma_wait3A_39, %dma_wait3A_40] : memref<10112x16xf32, #tpu.memory_space<vmem_shared>> -> memref<10112x16xf32, #tpu.memory_space<vmem_shared>>
    tpu.wait_indirect_dma semaphore(%arg21 : memref<!tpu.dma_semaphore, #tpu.memory_space<semaphore_mem>>) src(%arg11 : memref<80x16xf32, #tpu.memory_space<vmem>>) dst(%dma_wait3A_41 : memref<10112x16xf32, #tpu.memory_space<vmem_shared>>)
    %dma_wait3A_42 = arith.constant 0 : i32
    %dma_wait3A_43 = tpu.memref_slice %arg7[%dma_wait3A_42] : memref<10000xi32, #tpu.memory_space<vmem>> -> memref<80xi32, #tpu.memory_space<vmem>>
    %dma_wait3A_44 = arith.constant 0 : i32
    %dma_wait3A_45 = arith.constant 0 : i32
    %dma_wait3A_46 = tpu.memref_slice %arg23[%dma_wait3A_44, %dma_wait3A_45] : memref<10112x16xf32, #tpu.memory_space<vmem_shared>> -> memref<10112x16xf32, #tpu.memory_space<vmem_shared>>
    tpu.wait_indirect_dma semaphore(%arg22 : memref<!tpu.dma_semaphore, #tpu.memory_space<semaphore_mem>>) src(%arg12 : memref<80x16xf32, #tpu.memory_space<vmem>>) dst(%dma_wait3A_46 : memref<10112x16xf32, #tpu.memory_space<vmem_shared>>)
    %barrier3A_47 = arith.constant 0 : index
    tpu.barrier barrier_id(%barrier3A_47)
    %mul3A_48 = arith.constant 632 : i32
    %mul3A_49 = arith.muli %arg1, %mul3A_48 : i32
    %mul3A_50 = arith.constant 632 : i32
    %mul3A_51 = arith.muli %arg1, %mul3A_50 : i32
    "tpu.region"() ({
      %run_scoped3A_52 = tpu.sem_alloc : memref<!tpu.dma_semaphore, #tpu.memory_space<semaphore_mem>>
      %dma_start3A = arith.constant 0 : i32
      %dma_start3A_53 = tpu.memref_slice %arg5[%arg0, %mul3A_51, %dma_start3A] : memref<2x10112x16xf32, #tpu.memory_space<hbm>> -> memref<1x632x16xf32, #tpu.memory_space<hbm>>
      %dma_start3A_54 = tpu.memref_squeeze %dma_start3A_53 : memref<1x632x16xf32, #tpu.memory_space<hbm>> -> memref<632x16xf32, #tpu.memory_space<hbm>>
      %dma_start3A_55 = arith.constant 0 : i32
      %dma_start3A_56 = tpu.memref_slice %arg23[%mul3A_49, %dma_start3A_55] : memref<10112x16xf32, #tpu.memory_space<vmem_shared>> -> memref<632x16xf32, #tpu.memory_space<vmem_shared>>
      tpu.enqueue_dma source(%dma_start3A_56 : memref<632x16xf32, #tpu.memory_space<vmem_shared>>) target(%dma_start3A_54 : memref<632x16xf32, #tpu.memory_space<hbm>>) target_semaphore(%run_scoped3A_52 : memref<!tpu.dma_semaphore, #tpu.memory_space<semaphore_mem>>)
      %dma_wait3A_57 = arith.constant 0 : i32
      %dma_wait3A_58 = tpu.memref_slice %arg5[%arg0, %mul3A_51, %dma_wait3A_57] : memref<2x10112x16xf32, #tpu.memory_space<hbm>> -> memref<1x632x16xf32, #tpu.memory_space<hbm>>
      %dma_wait3A_59 = tpu.memref_squeeze %dma_wait3A_58 : memref<1x632x16xf32, #tpu.memory_space<hbm>> -> memref<632x16xf32, #tpu.memory_space<hbm>>
      %dma_wait3A_60 = arith.constant 0 : i32
      %dma_wait3A_61 = tpu.memref_slice %arg23[%mul3A_49, %dma_wait3A_60] : memref<10112x16xf32, #tpu.memory_space<vmem_shared>> -> memref<632x16xf32, #tpu.memory_space<vmem_shared>>
      tpu.wait_dma2 semaphore(%run_scoped3A_52 : memref<!tpu.dma_semaphore, #tpu.memory_space<semaphore_mem>>) src(%dma_wait3A_61 : memref<632x16xf32, #tpu.memory_space<vmem_shared>>) dst(%dma_wait3A_59 : memref<632x16xf32, #tpu.memory_space<hbm>>)
      tpu.yield
    }) : () -> ()
    return
  }
}

module attributes {stable_mosaic.version = 14 : i64} {
  func.func @_tc1_body(%arg0: memref<10000x128xf32, #tpu.memory_space<vmem>>, %arg1: memref<1024x256xf32, #tpu.memory_space<vmem>>, %arg2: memref<2x632x128xf32, #tpu.memory_space<vmem>>, %arg3: memref<128x128xf32, #tpu.memory_space<vmem>>, %arg4: memref<128x128xf32, #tpu.memory_space<vmem>>, %arg5: memref<1264x128xf32, #tpu.memory_space<vmem>>, %arg6: memref<1264x128xf32, #tpu.memory_space<vmem>>, %arg7: memref<1264x128xf32, #tpu.memory_space<vmem>>) attributes {dimension_semantics = [], scalar_prefetch = 0 : i64, scratch_operands = 0 : i64, tpu.core_type = #tpu.core_type<tc>} {
    %get3A = arith.constant 0 : index
    %get3A_0 = arith.constant 0 : index
    %get3A_1 = arith.constant 0 : index
    %get3A_2 = vector.load %arg2[%get3A, %get3A_0, %get3A_1] : memref<2x632x128xf32, #tpu.memory_space<vmem>>, vector<1x632x128xf32>
    %get3A_3 = vector.shape_cast %get3A_2 : vector<1x632x128xf32> to vector<632x128xf32>
    %get3A_4 = arith.constant 1 : index
    %get3A_5 = arith.constant 0 : index
    %get3A_6 = arith.constant 0 : index
    %get3A_7 = vector.load %arg2[%get3A_4, %get3A_5, %get3A_6] : memref<2x632x128xf32, #tpu.memory_space<vmem>>, vector<1x632x128xf32>
    %get3A_8 = vector.shape_cast %get3A_7 : vector<1x632x128xf32> to vector<632x128xf32>
    %add3A = arith.addf %get3A_3, %get3A_8 : vector<632x128xf32>
    %gt3A = arith.constant 0.000000e+00 : f32
    %gt3A_9 = vector.broadcast %gt3A : f32 to vector<632x128xf32>
    %gt3A_10 = arith.cmpf ogt, %add3A, %gt3A_9 : vector<632x128xf32>
    %rsqrt3A = math.rsqrt %add3A : vector<632x128xf32>
    %jit3A = arith.constant 0.000000e+00 : f32
    %broadcast_in_dim3A = vector.broadcast %jit3A : f32 to vector<632x128xf32>
    %select_n3A = arith.select %gt3A_10, %rsqrt3A, %broadcast_in_dim3A : vector<632x128xi1>, vector<632x128xf32>
    %get3A_11 = arith.constant 0 : index
    %get3A_12 = arith.constant 0 : index
    %get3A_13 = vector.load %arg3[%get3A_11, %get3A_12] : memref<128x128xf32, #tpu.memory_space<vmem>>, vector<128x128xf32>
    %dot_general3A = arith.constant dense<0.000000e+00> : vector<632x128xf32>
    %dot_general3A_14 = tpu.matmul %select_n3A, %get3A_13, %dot_general3A {dimension_numbers = #tpu.dot_dimension_numbers<[1], [0], [0], [1], [0, 0, 1, 1], [], []>, transpose_lhs_hint = false} : vector<632x128xf32>, vector<128x128xf32>, vector<632x128xf32> -> vector<632x128xf32>
    %get3A_15 = arith.constant 0 : index
    %get3A_16 = arith.constant 0 : index
    %get3A_17 = vector.load %arg4[%get3A_15, %get3A_16] : memref<128x128xf32, #tpu.memory_space<vmem>>, vector<128x128xf32>
    %dot_general3A_18 = arith.constant dense<0.000000e+00> : vector<632x128xf32>
    %dot_general3A_19 = tpu.matmul %select_n3A, %get3A_17, %dot_general3A_18 {dimension_numbers = #tpu.dot_dimension_numbers<[1], [0], [0], [1], [0, 0, 1, 1], [], []>, transpose_lhs_hint = false} : vector<632x128xf32>, vector<128x128xf32>, vector<632x128xf32> -> vector<632x128xf32>
    %broadcast_in_dim3A_20 = vector.shape_cast %dot_general3A_14 : vector<632x128xf32> to vector<632x1x128xf32>
    %broadcast_in_dim3A_21 = vector.shape_cast %dot_general3A_19 : vector<632x128xf32> to vector<632x1x128xf32>
    %concatenate3A = tpu.concatenate %broadcast_in_dim3A_20, %broadcast_in_dim3A_21 in 1 : vector<632x1x128xf32>, vector<632x1x128xf32> -> vector<632x2x128xf32>
    %reshape3A = vector.shape_cast %concatenate3A : vector<632x2x128xf32> to vector<1264x128xf32>
    %swap3A = arith.constant 0 : index
    %swap3A_22 = arith.constant 0 : index
    %swap3A_23 = vector.load %arg7[%swap3A, %swap3A_22] : memref<1264x128xf32, #tpu.memory_space<vmem>>, vector<1264x128xf32>
    tpu.vector_store %arg7[%swap3A, %swap3A_22], %reshape3A {strides = array<i32>} : memref<1264x128xf32, #tpu.memory_space<vmem>>, vector<1264x128xf32>,
    %get3A_24 = arith.constant 0 : index
    %get3A_25 = arith.constant 0 : index
    %get3A_26 = tpu.strided_load %arg0[%get3A_24, %get3A_25] {strides = array<i32: 8, 1>} : memref<10000x128xf32, #tpu.memory_space<vmem>>, vector<1250x128xf32>
    %get3A_27 = arith.constant 0 : index
    %get3A_28 = arith.constant 0 : index
    %get3A_29 = vector.load %arg1[%get3A_27, %get3A_28] : memref<1024x256xf32, #tpu.memory_space<vmem>>, vector<128x256xf32>
    %dot_general3A_30 = arith.constant dense<0.000000e+00> : vector<1250x256xf32>
    %dot_general3A_31 = tpu.matmul %get3A_26, %get3A_29, %dot_general3A_30 {dimension_numbers = #tpu.dot_dimension_numbers<[1], [0], [0], [1], [0, 0, 1, 1], [], []>, transpose_lhs_hint = false} : vector<1250x128xf32>, vector<128x256xf32>, vector<1250x256xf32> -> vector<1250x256xf32>
    %get3A_32 = arith.constant 1 : index
    %get3A_33 = arith.constant 0 : index
    %get3A_34 = tpu.strided_load %arg0[%get3A_32, %get3A_33] {strides = array<i32: 8, 1>} : memref<10000x128xf32, #tpu.memory_space<vmem>>, vector<1250x128xf32>
    %get3A_35 = arith.constant 128 : index
    %get3A_36 = arith.constant 0 : index
    %get3A_37 = vector.load %arg1[%get3A_35, %get3A_36] : memref<1024x256xf32, #tpu.memory_space<vmem>>, vector<128x256xf32>
    %dot_general3A_38 = arith.constant dense<0.000000e+00> : vector<1250x256xf32>
    %dot_general3A_39 = tpu.matmul %get3A_34, %get3A_37, %dot_general3A_38 {dimension_numbers = #tpu.dot_dimension_numbers<[1], [0], [0], [1], [0, 0, 1, 1], [], []>, transpose_lhs_hint = false} : vector<1250x128xf32>, vector<128x256xf32>, vector<1250x256xf32> -> vector<1250x256xf32>
    %add3A_40 = arith.addf %dot_general3A_31, %dot_general3A_39 : vector<1250x256xf32>
    %get3A_41 = arith.constant 2 : index
    %get3A_42 = arith.constant 0 : index
    %get3A_43 = tpu.strided_load %arg0[%get3A_41, %get3A_42] {strides = array<i32: 8, 1>} : memref<10000x128xf32, #tpu.memory_space<vmem>>, vector<1250x128xf32>
    %get3A_44 = arith.constant 256 : index
    %get3A_45 = arith.constant 0 : index
    %get3A_46 = vector.load %arg1[%get3A_44, %get3A_45] : memref<1024x256xf32, #tpu.memory_space<vmem>>, vector<128x256xf32>
    %dot_general3A_47 = arith.constant dense<0.000000e+00> : vector<1250x256xf32>
    %dot_general3A_48 = tpu.matmul %get3A_43, %get3A_46, %dot_general3A_47 {dimension_numbers = #tpu.dot_dimension_numbers<[1], [0], [0], [1], [0, 0, 1, 1], [], []>, transpose_lhs_hint = false} : vector<1250x128xf32>, vector<128x256xf32>, vector<1250x256xf32> -> vector<1250x256xf32>
    %add3A_49 = arith.addf %add3A_40, %dot_general3A_48 : vector<1250x256xf32>
    %get3A_50 = arith.constant 3 : index
    %get3A_51 = arith.constant 0 : index
    %get3A_52 = tpu.strided_load %arg0[%get3A_50, %get3A_51] {strides = array<i32: 8, 1>} : memref<10000x128xf32, #tpu.memory_space<vmem>>, vector<1250x128xf32>
    %get3A_53 = arith.constant 384 : index
    %get3A_54 = arith.constant 0 : index
    %get3A_55 = vector.load %arg1[%get3A_53, %get3A_54] : memref<1024x256xf32, #tpu.memory_space<vmem>>, vector<128x256xf32>
    %dot_general3A_56 = arith.constant dense<0.000000e+00> : vector<1250x256xf32>
    %dot_general3A_57 = tpu.matmul %get3A_52, %get3A_55, %dot_general3A_56 {dimension_numbers = #tpu.dot_dimension_numbers<[1], [0], [0], [1], [0, 0, 1, 1], [], []>, transpose_lhs_hint = false} : vector<1250x128xf32>, vector<128x256xf32>, vector<1250x256xf32> -> vector<1250x256xf32>
    %add3A_58 = arith.addf %add3A_49, %dot_general3A_57 : vector<1250x256xf32>
    %get3A_59 = arith.constant 4 : index
    %get3A_60 = arith.constant 0 : index
    %get3A_61 = tpu.strided_load %arg0[%get3A_59, %get3A_60] {strides = array<i32: 8, 1>} : memref<10000x128xf32, #tpu.memory_space<vmem>>, vector<1250x128xf32>
    %get3A_62 = arith.constant 512 : index
    %get3A_63 = arith.constant 0 : index
    %get3A_64 = vector.load %arg1[%get3A_62, %get3A_63] : memref<1024x256xf32, #tpu.memory_space<vmem>>, vector<128x256xf32>
    %dot_general3A_65 = arith.constant dense<0.000000e+00> : vector<1250x256xf32>
    %dot_general3A_66 = tpu.matmul %get3A_61, %get3A_64, %dot_general3A_65 {dimension_numbers = #tpu.dot_dimension_numbers<[1], [0], [0], [1], [0, 0, 1, 1], [], []>, transpose_lhs_hint = false} : vector<1250x128xf32>, vector<128x256xf32>, vector<1250x256xf32> -> vector<1250x256xf32>
    %add3A_67 = arith.addf %add3A_58, %dot_general3A_66 : vector<1250x256xf32>
    %get3A_68 = arith.constant 5 : index
    %get3A_69 = arith.constant 0 : index
    %get3A_70 = tpu.strided_load %arg0[%get3A_68, %get3A_69] {strides = array<i32: 8, 1>} : memref<10000x128xf32, #tpu.memory_space<vmem>>, vector<1250x128xf32>
    %get3A_71 = arith.constant 640 : index
    %get3A_72 = arith.constant 0 : index
    %get3A_73 = vector.load %arg1[%get3A_71, %get3A_72] : memref<1024x256xf32, #tpu.memory_space<vmem>>, vector<128x256xf32>
    %dot_general3A_74 = arith.constant dense<0.000000e+00> : vector<1250x256xf32>
    %dot_general3A_75 = tpu.matmul %get3A_70, %get3A_73, %dot_general3A_74 {dimension_numbers = #tpu.dot_dimension_numbers<[1], [0], [0], [1], [0, 0, 1, 1], [], []>, transpose_lhs_hint = false} : vector<1250x128xf32>, vector<128x256xf32>, vector<1250x256xf32> -> vector<1250x256xf32>
    %add3A_76 = arith.addf %add3A_67, %dot_general3A_75 : vector<1250x256xf32>
    %get3A_77 = arith.constant 6 : index
    %get3A_78 = arith.constant 0 : index
    %get3A_79 = tpu.strided_load %arg0[%get3A_77, %get3A_78] {strides = array<i32: 8, 1>} : memref<10000x128xf32, #tpu.memory_space<vmem>>, vector<1250x128xf32>
    %get3A_80 = arith.constant 768 : index
    %get3A_81 = arith.constant 0 : index
    %get3A_82 = vector.load %arg1[%get3A_80, %get3A_81] : memref<1024x256xf32, #tpu.memory_space<vmem>>, vector<128x256xf32>
    %dot_general3A_83 = arith.constant dense<0.000000e+00> : vector<1250x256xf32>
    %dot_general3A_84 = tpu.matmul %get3A_79, %get3A_82, %dot_general3A_83 {dimension_numbers = #tpu.dot_dimension_numbers<[1], [0], [0], [1], [0, 0, 1, 1], [], []>, transpose_lhs_hint = false} : vector<1250x128xf32>, vector<128x256xf32>, vector<1250x256xf32> -> vector<1250x256xf32>
    %add3A_85 = arith.addf %add3A_76, %dot_general3A_84 : vector<1250x256xf32>
    %get3A_86 = arith.constant 7 : index
    %get3A_87 = arith.constant 0 : index
    %get3A_88 = tpu.strided_load %arg0[%get3A_86, %get3A_87] {strides = array<i32: 8, 1>} : memref<10000x128xf32, #tpu.memory_space<vmem>>, vector<1250x128xf32>
    %get3A_89 = arith.constant 896 : index
    %get3A_90 = arith.constant 0 : index
    %get3A_91 = vector.load %arg1[%get3A_89, %get3A_90] : memref<1024x256xf32, #tpu.memory_space<vmem>>, vector<128x256xf32>
    %dot_general3A_92 = arith.constant dense<0.000000e+00> : vector<1250x256xf32>
    %dot_general3A_93 = tpu.matmul %get3A_88, %get3A_91, %dot_general3A_92 {dimension_numbers = #tpu.dot_dimension_numbers<[1], [0], [0], [1], [0, 0, 1, 1], [], []>, transpose_lhs_hint = false} : vector<1250x128xf32>, vector<128x256xf32>, vector<1250x256xf32> -> vector<1250x256xf32>
    %add3A_94 = arith.addf %add3A_85, %dot_general3A_93 : vector<1250x256xf32>
    %slice3A = vector.extract_strided_slice %add3A_94 {offsets = [0, 0], sizes = [1250, 128], strides = [1, 1]} : vector<1250x256xf32> to vector<1250x128xf32>
    %swap3A_95 = arith.constant 0 : index
    %swap3A_96 = arith.constant 0 : index
    %swap3A_97 = vector.load %arg5[%swap3A_95, %swap3A_96] : memref<1264x128xf32, #tpu.memory_space<vmem>>, vector<1250x128xf32>
    tpu.vector_store %arg5[%swap3A_95, %swap3A_96], %slice3A {strides = array<i32>} : memref<1264x128xf32, #tpu.memory_space<vmem>>, vector<1250x128xf32>,
    %slice3A_98 = vector.extract_strided_slice %reshape3A {offsets = [0, 0], sizes = [1250, 128], strides = [1, 1]} : vector<1264x128xf32> to vector<1250x128xf32>
    %slice3A_99 = vector.extract_strided_slice %add3A_94 {offsets = [0, 128], sizes = [1250, 128], strides = [1, 1]} : vector<1250x256xf32> to vector<1250x128xf32>
    %mul3A = arith.mulf %slice3A_98, %slice3A_99 : vector<1250x128xf32>
    %swap3A_100 = arith.constant 0 : index
    %swap3A_101 = arith.constant 0 : index
    %swap3A_102 = vector.load %arg6[%swap3A_100, %swap3A_101] : memref<1264x128xf32, #tpu.memory_space<vmem>>, vector<1250x128xf32>
    tpu.vector_store %arg6[%swap3A_100, %swap3A_101], %mul3A {strides = array<i32>} : memref<1264x128xf32, #tpu.memory_space<vmem>>, vector<1250x128xf32>,
    %broadcast_in_dim3A_103 = arith.constant 0.000000e+00 : f32
    %broadcast_in_dim3A_104 = vector.broadcast %broadcast_in_dim3A_103 : f32 to vector<14x128xf32>
    %swap3A_105 = arith.constant 1250 : index
    %swap3A_106 = arith.constant 0 : index
    %swap3A_107 = vector.load %arg5[%swap3A_105, %swap3A_106] : memref<1264x128xf32, #tpu.memory_space<vmem>>, vector<14x128xf32>
    tpu.vector_store %arg5[%swap3A_105, %swap3A_106], %broadcast_in_dim3A_104 {strides = array<i32>} : memref<1264x128xf32, #tpu.memory_space<vmem>>, vector<14x128xf32>,
    %swap3A_108 = arith.constant 1250 : index
    %swap3A_109 = arith.constant 0 : index
    %swap3A_110 = vector.load %arg6[%swap3A_108, %swap3A_109] : memref<1264x128xf32, #tpu.memory_space<vmem>>, vector<14x128xf32>
    tpu.vector_store %arg6[%swap3A_108, %swap3A_109], %broadcast_in_dim3A_104 {strides = array<i32>} : memref<1264x128xf32, #tpu.memory_space<vmem>>, vector<14x128xf32>,
    return
  }
}

module attributes {stable_mosaic.version = 14 : i64} {
  func.func @_tc2_body(%arg0: memref<1264x128xf32, #tpu.memory_space<vmem>>, %arg1: memref<2x1264x128xf32, #tpu.memory_space<vmem>>, %arg2: memref<1264x128xf32, #tpu.memory_space<vmem>>, %arg3: memref<1x128xf32, #tpu.memory_space<vmem>>, %arg4: memref<128x256xf32, #tpu.memory_space<vmem>>, %arg5: memref<1264x128xf32, #tpu.memory_space<vmem>>, %arg6: memref<1264x128xf32, #tpu.memory_space<vmem>>) attributes {dimension_semantics = [], scalar_prefetch = 0 : i64, scratch_operands = 0 : i64, tpu.core_type = #tpu.core_type<tc>} {
    %get3A = arith.constant 0 : index
    %get3A_0 = arith.constant 0 : index
    %get3A_1 = vector.load %arg2[%get3A, %get3A_0] : memref<1264x128xf32, #tpu.memory_space<vmem>>, vector<1264x128xf32>
    %get3A_2 = arith.constant 0 : index
    %get3A_3 = arith.constant 0 : index
    %get3A_4 = arith.constant 0 : index
    %get3A_5 = vector.load %arg1[%get3A_2, %get3A_3, %get3A_4] : memref<2x1264x128xf32, #tpu.memory_space<vmem>>, vector<1x1264x128xf32>
    %get3A_6 = vector.shape_cast %get3A_5 : vector<1x1264x128xf32> to vector<1264x128xf32>
    %get3A_7 = arith.constant 1 : index
    %get3A_8 = arith.constant 0 : index
    %get3A_9 = arith.constant 0 : index
    %get3A_10 = vector.load %arg1[%get3A_7, %get3A_8, %get3A_9] : memref<2x1264x128xf32, #tpu.memory_space<vmem>>, vector<1x1264x128xf32>
    %get3A_11 = vector.shape_cast %get3A_10 : vector<1x1264x128xf32> to vector<1264x128xf32>
    %add3A = arith.addf %get3A_6, %get3A_11 : vector<1264x128xf32>
    %mul3A = arith.mulf %add3A, %get3A_1 : vector<1264x128xf32>
    %get3A_12 = arith.constant 0 : index
    %get3A_13 = arith.constant 0 : index
    %get3A_14 = vector.load %arg0[%get3A_12, %get3A_13] : memref<1264x128xf32, #tpu.memory_space<vmem>>, vector<1264x128xf32>
    %add3A_15 = arith.addf %get3A_14, %mul3A : vector<1264x128xf32>
    %get3A_16 = arith.constant 0 : index
    %get3A_17 = arith.constant 0 : index
    %get3A_18 = vector.load %arg3[%get3A_16, %get3A_17] : memref<1x128xf32, #tpu.memory_space<vmem>>, vector<1x128xf32>
    %add3A_19 = vector.broadcast %get3A_18 : vector<1x128xf32> to vector<1264x128xf32>
    %add3A_20 = arith.addf %add3A_15, %add3A_19 : vector<1264x128xf32>
    %max3A = arith.constant 0.000000e+00 : f32
    %max3A_21 = vector.broadcast %max3A : f32 to vector<1264x128xf32>
    %max3A_22 = arith.maximumf %add3A_20, %max3A_21 : vector<1264x128xf32>
    %get3A_23 = arith.constant 0 : index
    %get3A_24 = arith.constant 0 : index
    %get3A_25 = vector.load %arg4[%get3A_23, %get3A_24] : memref<128x256xf32, #tpu.memory_space<vmem>>, vector<128x256xf32>
    %dot_general3A = arith.constant dense<0.000000e+00> : vector<1264x256xf32>
    %dot_general3A_26 = tpu.matmul %max3A_22, %get3A_25, %dot_general3A {dimension_numbers = #tpu.dot_dimension_numbers<[1], [0], [0], [1], [0, 0, 1, 1], [], []>, transpose_lhs_hint = false} : vector<1264x128xf32>, vector<128x256xf32>, vector<1264x256xf32> -> vector<1264x256xf32>
    %slice3A = vector.extract_strided_slice %dot_general3A_26 {offsets = [0, 0], sizes = [1264, 128], strides = [1, 1]} : vector<1264x256xf32> to vector<1264x128xf32>
    %swap3A = arith.constant 0 : index
    %swap3A_27 = arith.constant 0 : index
    %swap3A_28 = vector.load %arg5[%swap3A, %swap3A_27] : memref<1264x128xf32, #tpu.memory_space<vmem>>, vector<1264x128xf32>
    tpu.vector_store %arg5[%swap3A, %swap3A_27], %slice3A {strides = array<i32>} : memref<1264x128xf32, #tpu.memory_space<vmem>>, vector<1264x128xf32>,
    %slice3A_29 = vector.extract_strided_slice %dot_general3A_26 {offsets = [0, 128], sizes = [1264, 128], strides = [1, 1]} : vector<1264x256xf32> to vector<1264x128xf32>
    %mul3A_30 = arith.mulf %get3A_1, %slice3A_29 : vector<1264x128xf32>
    %swap3A_31 = arith.constant 0 : index
    %swap3A_32 = arith.constant 0 : index
    %swap3A_33 = vector.load %arg6[%swap3A_31, %swap3A_32] : memref<1264x128xf32, #tpu.memory_space<vmem>>, vector<1264x128xf32>
    tpu.vector_store %arg6[%swap3A_31, %swap3A_32], %mul3A_30 {strides = array<i32>} : memref<1264x128xf32, #tpu.memory_space<vmem>>, vector<1264x128xf32>,
    return
  }
}

module attributes {stable_mosaic.version = 14 : i64} {
  func.func @_tc3_body(%arg0: memref<1264x128xf32, #tpu.memory_space<vmem>>, %arg1: memref<2x1264x128xf32, #tpu.memory_space<vmem>>, %arg2: memref<1264x128xf32, #tpu.memory_space<vmem>>, %arg3: memref<1x128xf32, #tpu.memory_space<vmem>>, %arg4: memref<128x128xf32, #tpu.memory_space<vmem>>, %arg5: memref<10000x16xf32, #tpu.memory_space<vmem>>) attributes {dimension_semantics = [], scalar_prefetch = 0 : i64, scratch_operands = 0 : i64, tpu.core_type = #tpu.core_type<tc>} {
    %get3A = arith.constant 0 : index
    %get3A_0 = arith.constant 0 : index
    %get3A_1 = vector.load %arg0[%get3A, %get3A_0] : memref<1264x128xf32, #tpu.memory_space<vmem>>, vector<1264x128xf32>
    %get3A_2 = arith.constant 0 : index
    %get3A_3 = arith.constant 0 : index
    %get3A_4 = arith.constant 0 : index
    %get3A_5 = vector.load %arg1[%get3A_2, %get3A_3, %get3A_4] : memref<2x1264x128xf32, #tpu.memory_space<vmem>>, vector<1x1264x128xf32>
    %get3A_6 = vector.shape_cast %get3A_5 : vector<1x1264x128xf32> to vector<1264x128xf32>
    %get3A_7 = arith.constant 1 : index
    %get3A_8 = arith.constant 0 : index
    %get3A_9 = arith.constant 0 : index
    %get3A_10 = vector.load %arg1[%get3A_7, %get3A_8, %get3A_9] : memref<2x1264x128xf32, #tpu.memory_space<vmem>>, vector<1x1264x128xf32>
    %get3A_11 = vector.shape_cast %get3A_10 : vector<1x1264x128xf32> to vector<1264x128xf32>
    %add3A = arith.addf %get3A_6, %get3A_11 : vector<1264x128xf32>
    %get3A_12 = arith.constant 0 : index
    %get3A_13 = arith.constant 0 : index
    %get3A_14 = vector.load %arg2[%get3A_12, %get3A_13] : memref<1264x128xf32, #tpu.memory_space<vmem>>, vector<1264x128xf32>
    %mul3A = arith.mulf %add3A, %get3A_14 : vector<1264x128xf32>
    %add3A_15 = arith.addf %get3A_1, %mul3A : vector<1264x128xf32>
    %get3A_16 = arith.constant 0 : index
    %get3A_17 = arith.constant 0 : index
    %get3A_18 = vector.load %arg3[%get3A_16, %get3A_17] : memref<1x128xf32, #tpu.memory_space<vmem>>, vector<1x128xf32>
    %add3A_19 = vector.broadcast %get3A_18 : vector<1x128xf32> to vector<1264x128xf32>
    %add3A_20 = arith.addf %add3A_15, %add3A_19 : vector<1264x128xf32>
    %exp3A = math.exp %add3A_20 : vector<1264x128xf32>
    %get3A_21 = arith.constant 0 : index
    %get3A_22 = arith.constant 0 : index
    %get3A_23 = vector.load %arg4[%get3A_21, %get3A_22] : memref<128x128xf32, #tpu.memory_space<vmem>>, vector<128x128xf32>
    %dot_general3A = arith.constant dense<0.000000e+00> : vector<1264x128xf32>
    %dot_general3A_24 = tpu.matmul %exp3A, %get3A_23, %dot_general3A {dimension_numbers = #tpu.dot_dimension_numbers<[1], [0], [0], [1], [0, 0, 1, 1], [], []>, transpose_lhs_hint = false} : vector<1264x128xf32>, vector<128x128xf32>, vector<1264x128xf32> -> vector<1264x128xf32>
    %log3A = math.log %dot_general3A_24 : vector<1264x128xf32>
    %sub3A = arith.subf %add3A_20, %log3A : vector<1264x128xf32>
    %slice3A = vector.extract_strided_slice %sub3A {offsets = [0, 0], sizes = [1250, 16], strides = [1, 1]} : vector<1264x128xf32> to vector<1250x16xf32>
    %swap3A = arith.constant 0 : index
    %swap3A_25 = arith.constant 0 : index
    %swap3A_26 = tpu.strided_load %arg5[%swap3A, %swap3A_25] {strides = array<i32: 8, 1>} : memref<10000x16xf32, #tpu.memory_space<vmem>>, vector<1250x16xf32>
    tpu.strided_store %arg5[%swap3A, %swap3A_25], %slice3A {strides = array<i32: 8, 1>} : memref<10000x16xf32, #tpu.memory_space<vmem>>, vector<1250x16xf32>
    %slice3A_27 = vector.extract_strided_slice %sub3A {offsets = [0, 16], sizes = [1250, 16], strides = [1, 1]} : vector<1264x128xf32> to vector<1250x16xf32>
    %swap3A_28 = arith.constant 1 : index
    %swap3A_29 = arith.constant 0 : index
    %swap3A_30 = tpu.strided_load %arg5[%swap3A_28, %swap3A_29] {strides = array<i32: 8, 1>} : memref<10000x16xf32, #tpu.memory_space<vmem>>, vector<1250x16xf32>
    tpu.strided_store %arg5[%swap3A_28, %swap3A_29], %slice3A_27 {strides = array<i32: 8, 1>} : memref<10000x16xf32, #tpu.memory_space<vmem>>, vector<1250x16xf32>
    %slice3A_31 = vector.extract_strided_slice %sub3A {offsets = [0, 32], sizes = [1250, 16], strides = [1, 1]} : vector<1264x128xf32> to vector<1250x16xf32>
    %swap3A_32 = arith.constant 2 : index
    %swap3A_33 = arith.constant 0 : index
    %swap3A_34 = tpu.strided_load %arg5[%swap3A_32, %swap3A_33] {strides = array<i32: 8, 1>} : memref<10000x16xf32, #tpu.memory_space<vmem>>, vector<1250x16xf32>
    tpu.strided_store %arg5[%swap3A_32, %swap3A_33], %slice3A_31 {strides = array<i32: 8, 1>} : memref<10000x16xf32, #tpu.memory_space<vmem>>, vector<1250x16xf32>
    %slice3A_35 = vector.extract_strided_slice %sub3A {offsets = [0, 48], sizes = [1250, 16], strides = [1, 1]} : vector<1264x128xf32> to vector<1250x16xf32>
    %swap3A_36 = arith.constant 3 : index
    %swap3A_37 = arith.constant 0 : index
    %swap3A_38 = tpu.strided_load %arg5[%swap3A_36, %swap3A_37] {strides = array<i32: 8, 1>} : memref<10000x16xf32, #tpu.memory_space<vmem>>, vector<1250x16xf32>
    tpu.strided_store %arg5[%swap3A_36, %swap3A_37], %slice3A_35 {strides = array<i32: 8, 1>} : memref<10000x16xf32, #tpu.memory_space<vmem>>, vector<1250x16xf32>
    %slice3A_39 = vector.extract_strided_slice %sub3A {offsets = [0, 64], sizes = [1250, 16], strides = [1, 1]} : vector<1264x128xf32> to vector<1250x16xf32>
    %swap3A_40 = arith.constant 4 : index
    %swap3A_41 = arith.constant 0 : index
    %swap3A_42 = tpu.strided_load %arg5[%swap3A_40, %swap3A_41] {strides = array<i32: 8, 1>} : memref<10000x16xf32, #tpu.memory_space<vmem>>, vector<1250x16xf32>
    tpu.strided_store %arg5[%swap3A_40, %swap3A_41], %slice3A_39 {strides = array<i32: 8, 1>} : memref<10000x16xf32, #tpu.memory_space<vmem>>, vector<1250x16xf32>
    %slice3A_43 = vector.extract_strided_slice %sub3A {offsets = [0, 80], sizes = [1250, 16], strides = [1, 1]} : vector<1264x128xf32> to vector<1250x16xf32>
    %swap3A_44 = arith.constant 5 : index
    %swap3A_45 = arith.constant 0 : index
    %swap3A_46 = tpu.strided_load %arg5[%swap3A_44, %swap3A_45] {strides = array<i32: 8, 1>} : memref<10000x16xf32, #tpu.memory_space<vmem>>, vector<1250x16xf32>
    tpu.strided_store %arg5[%swap3A_44, %swap3A_45], %slice3A_43 {strides = array<i32: 8, 1>} : memref<10000x16xf32, #tpu.memory_space<vmem>>, vector<1250x16xf32>
    %slice3A_47 = vector.extract_strided_slice %sub3A {offsets = [0, 96], sizes = [1250, 16], strides = [1, 1]} : vector<1264x128xf32> to vector<1250x16xf32>
    %swap3A_48 = arith.constant 6 : index
    %swap3A_49 = arith.constant 0 : index
    %swap3A_50 = tpu.strided_load %arg5[%swap3A_48, %swap3A_49] {strides = array<i32: 8, 1>} : memref<10000x16xf32, #tpu.memory_space<vmem>>, vector<1250x16xf32>
    tpu.strided_store %arg5[%swap3A_48, %swap3A_49], %slice3A_47 {strides = array<i32: 8, 1>} : memref<10000x16xf32, #tpu.memory_space<vmem>>, vector<1250x16xf32>
    %slice3A_51 = vector.extract_strided_slice %sub3A {offsets = [0, 112], sizes = [1250, 16], strides = [1, 1]} : vector<1264x128xf32> to vector<1250x16xf32>
    %swap3A_52 = arith.constant 7 : index
    %swap3A_53 = arith.constant 0 : index
    %swap3A_54 = tpu.strided_load %arg5[%swap3A_52, %swap3A_53] {strides = array<i32: 8, 1>} : memref<10000x16xf32, #tpu.memory_space<vmem>>, vector<1250x16xf32>
    tpu.strided_store %arg5[%swap3A_52, %swap3A_53], %slice3A_51 {strides = array<i32: 8, 1>} : memref<10000x16xf32, #tpu.memory_space<vmem>>, vector<1250x16xf32>
    return
  }
}

</mosaic_0001>

<sc_bundles>
// kernel: kernel.11.cloned.1.call-start
scs
__scs_entry_jumppad:
0x0: {  	(pc) =	sbr.rel $0x88, $3  }
0x1: {  	(tag) =	ssettag $0x0;
	lr =	simm.s32 $0x1  }
0x2: {  	[smem:$0x3F99] =	sst lr;
	_ =	strace $0xD0000000  }
0x3: {  	_ = 	snop  }
0x4: {  	_ = 	snop  }
0x5: {  	_ = 	snop  }
0x6: {  	_ = 	snop  }
0x7: {  	_ = 	snop  }
__scs_overlays_trampoline_lowered:
0x8: {  	[smem:$0x3FA8] =	sst s0  }
0x9: {  	[smem:$0x3FA9] =	sst s1  }
0xa: {  	[smem:$0x3FAA] =	sst s2  }
0xb: {  	[smem:$0x3FAB] =	sst s3  }
0xc: {  	[smem:$0x3FAC] =	sst s4  }
0xd: {  	[smem:$0x3FAD] =	sst s5  }
0xe: {  	[smem:$0x3FAE] =	sst s6  }
0xf: {  	[smem:$0x3FAF] =	sst s7  }
0x10: {  	[smem:$0x3FB0] =	sst s8  }
0x11: {  	[smem:$0x3FB1] =	sst s9;
	s0 =	simm.s32 @!p0 $0x0  }
0x12: {  	s1 =	sld [smem:$0x3F97];
	s0 =	simm.s32 @p0 $0x1  }
0x13: {  	[smem:$0x3FB2] =	sst s0;
	s0 =	simm.s32 @!p1 $0x0  }
0x14: {  	s2 =	sld [smem:$0x3F96];
	s0 =	simm.s32 @p1 $0x1  }
0x15: {  	[smem:$0x3FB3] =	sst s0;
	s0 =	simm.s32 @!p2 $0x0  }
0x16: {  	s3 =	sld [smem:$0x3FDB];
	s0 =	simm.s32 @p2 $0x1  }
0x17: {  	s4 =	simm.s32 $0x1BF5;
	[smem:$0x3FB5] =	sst s0  }
0x18: {  	s0 =	sld [smem:$0x3F98];
	_ =	swait.ge [sflag:s4], $0x0  }
0x19: {  	s7 =	sld [smem:$0x3F99]  }
0x1a: {  	s8 =	sadd.s32 $0xFFFFE003, lr  }
0x1b: {  	s9 =	sadd.s32 $0xFFFFFEF7, lr;
	s5 =	simm.s32 $0xFFFFFFFF;
	p2 =	slt.u32 s8, $0xFFFFF086  }
0x1c: {  	p1 =	slt.u32 s9, $0xF7A;
	s5 =	simm.s32 @!p2 $0x0  }
0x1d: {  	s5 =	simm.s32 @p1 $0x1;
	p0 =	seq.s32 s7, s2  }
0x1e: {  	s7 =	smul.u32 @!p0 $0xF7A, s2;
	p2 =	seq.s32 @!p0 s5, $0x0  }
0x1f: {  	s9 =	smul.u32 $0xF7A, s1;
	s8 =	simm.s32 @!p0 $0x1BF5;
	p2 =	por !p2, p0  }
0x20: {  	[sflag:s8] =	ssyncset.s32 @!p0 $0xFFFFF086;
	s6 =	sadd.s32 @!p0 s3, s7;
	s7 =	simm.s32 @!p0 $0x108  }
0x21: {  	s3 =	sadd.s32 s3, s9;
	s6 =	sadd.s32 @!p0 $0x88, s6;
	s7 =	simm.s32 @p2 $0x1082  }
0x22: {  	[simem:s7], [sflag:s8] =	dma.local @!p0 [hbm:s6], $0xF7A  }
0x23: {  	s9 =	sor.u32 $0xD0000000, s2;
	s6 =	simm.s32 $0x108;
	_ =	swait.ge @!p0 [sflag:s8], $0x0  }
0x24: {  	s3 =	sadd.s32 $0x88, s3;
	s6 =	simm.s32 @!p1 $0x1082;
	[sflag:s4] =	ssyncset.s32 $0xFFFFF086  }
0x25: {  	[simem:s6], [sflag:s4] =	dma.local [hbm:s3], $0xF7A  }
0x26: {  	[smem:$0x3F99] =	sst s1;
	(tag) =	ssettag s2;
	_ =	strace s9  }
0x27: {  	s1 =	sld [smem:$0x3FA9]  }
0x28: {  	s2 =	sld [smem:$0x3FAA]  }
0x29: {  	s4 =	sld [smem:$0x3FAC]  }
0x2a: {  	p0 =	seq.s32 s5, $0x0;
	s5 =	sld [smem:$0x3FAD]  }
0x2b: {  	s6 =	sld [smem:$0x3FAE]  }
0x2c: {  	s7 =	sld [smem:$0x3FAF]  }
0x2d: {  	s3 =	simm.s32 $0x108;
	s8 =	sld [smem:$0x3FB0]  }
0x2e: {  	s3 =	simm.s32 @!p0 $0x1082;
	s9 =	sld [smem:$0x3FB1]  }
0x2f: {  	lr =	sadd.s32 s0, s3;
	s0 =	sld [smem:$0x3FA8]  }
0x30: {  	s3 =	sld [smem:$0x3FAB]  }
0x31: {  	[smem:$0x3FB4] =	sst s10  }
0x32: {  	s10 =	sld [smem:$0x3FB2];
	_ =	sdelay $0x3  }
0x33: {  	p0 =	seq.s32 s10, $0x1;
	s10 =	sld [smem:$0x3FB4];
	_ =	sdelay $0x3  }
0x34: {  	[smem:$0x3FB4] =	sst s10  }
0x35: {  	s10 =	sld [smem:$0x3FB3];
	_ =	sdelay $0x3  }
0x36: {  	p1 =	seq.s32 s10, $0x1;
	s10 =	sld [smem:$0x3FB4];
	_ =	sdelay $0x3  }
0x37: {  	[smem:$0x3FB4] =	sst s10  }
0x38: {  	s10 =	sld [smem:$0x3FB5]  }
0x39: {  	_ = 	snop;
	(pc) =	sbr.ind lr, $3  }
0x3a: {  	_ = 	snop  }
0x3b: {  	_ = 	snop  }
0x3c: {  	p2 =	seq.s32 s10, $0x1;
	s10 =	sld [smem:$0x3FB4]  }
0x3d: {  	_ =	shalt  }
0x3e: {  	_ =	shalt  }
0x3f: {  	_ =	shalt  }
0x40: {  	_ =	shalt  }
0x41: {  	_ =	shalt  }
0x42: {  	_ =	shalt  }
0x43: {  	_ =	shalt  }
0x44: {  	_ =	shalt  }
0x45: {  	_ =	shalt  }
0x46: {  	_ =	shalt  }
0x47: {  	_ =	shalt  }
0x48: {  	_ =	shalt  }
0x49: {  	_ =	shalt  }
0x4a: {  	_ =	shalt  }
0x4b: {  	_ =	shalt  }
0x4c: {  	_ =	shalt  }
0x4d: {  	_ =	shalt  }
0x4e: {  	_ =	shalt  }
0x4f: {  	_ =	shalt  }
0x50: {  	_ =	shalt  }
0x51: {  	_ =	shalt  }
0x52: {  	_ =	shalt  }
0x53: {  	_ =	shalt  }
0x54: {  	_ =	shalt  }
0x55: {  	_ =	shalt  }
0x56: {  	_ =	shalt  }
0x57: {  	_ =	shalt  }
0x58: {  	_ =	shalt  }
0x59: {  	_ =	shalt  }
0x5a: {  	_ =	shalt  }
0x5b: {  	_ =	shalt  }
0x5c: {  	_ =	shalt  }
0x5d: {  	_ =	shalt  }
0x5e: {  	_ =	shalt  }
0x5f: {  	_ =	shalt  }
0x60: {  	_ =	shalt  }
0x61: {  	_ =	shalt  }
0x62: {  	_ =	shalt  }
0x63: {  	_ =	shalt  }
0x64: {  	_ =	shalt  }
0x65: {  	_ =	shalt  }
0x66: {  	_ =	shalt  }
0x67: {  	_ =	shalt  }
0x68: {  	_ =	shalt  }
0x69: {  	_ =	shalt  }
0x6a: {  	_ =	shalt  }
0x6b: {  	_ =	shalt  }
0x6c: {  	_ =	shalt  }
0x6d: {  	_ =	shalt  }
0x6e: {  	_ =	shalt  }
0x6f: {  	_ =	shalt  }
0x70: {  	_ =	shalt  }
0x71: {  	_ =	shalt  }
0x72: {  	_ =	shalt  }
0x73: {  	_ =	shalt  }
0x74: {  	_ =	shalt  }
0x75: {  	_ =	shalt  }
0x76: {  	_ =	shalt  }
0x77: {  	_ =	shalt  }
0x78: {  	_ =	shalt  }
0x79: {  	_ =	shalt  }
0x7a: {  	_ =	shalt  }
0x7b: {  	_ =	shalt  }
0x7c: {  	_ =	shalt  }
0x7d: {  	_ =	shalt  }
0x7e: {  	_ =	shalt  }
0x7f: {  	_ =	shalt  }
0x80: {  	_ =	shalt  }
0x81: {  	_ =	shalt  }
0x82: {  	_ =	shalt  }
0x83: {  	_ =	shalt  }
0x84: {  	_ =	shalt  }
0x85: {  	_ =	shalt  }
0x86: {  	_ =	shalt  }
0x87: {  	_ =	shalt  }
.Lfunc_end0:
.L_simem_size_0:
called_computation.1_lowered:
.L_overlay_start_0:
0x88: {  	s2 =	sld [smem:$0x3FD9]  }
0x89: {  	s3 =	sld [smem:$0x3FFE];
	_ =	sdelay $0x1  }
0x8a: {  	s1 =	srdreg.scid  }
0x8b: {  	s0 =	sand.u32 $0x1, s1  }
0x8c: {  	s17 =	sshll.u32 s0, $0xA;
	s2 =	sadd.s32 s3, s2  }
0x8d: {  	s2 =	sadd.s32 s2, s17  }
0x8e: {  	[smem:$0x3FC0] =	sst s2  }
0x8f: {  	_ = 	snop  }
0x90: {  	s2 =	sld [smem:$0x3FD0];
	(tm) =	ssettm $0x1  }
0x91: {  	s18 =	sld [smem:$0x3FFB];
	_ =	sdelay $0x3  }
0x92: {  	_ =	strace s18  }
0x93: {  	s3 =	sld [smem:$0x3FFC];
	_ =	sdelay $0x3  }
0x94: {  	_ =	strace s3  }
0x95: {  	s3 =	sld [smem:$0x3FFD];
	_ =	sdelay $0x3  }
0x96: {  	_ =	strace s3  }
0x97: {  	_ =	strace $0x8FFFFFFF  }
0x98: {  	s19 =	sld [smem:$0x3FDB];
	_ =	sdelay $0x1  }
0x99: {  	s4 =	simm.s32 $_scs_section_size  }
0x9a: {  	s5 =	simm.s32 $_size__tile_overlayer_lowered;
	s6 =	simm.s32 $_tile_overlayer_lowered  }
0x9b: {  	s22 =	simm.s32 $0x1BFF;
	s21 =	sshll.u32 s6, $0x1;
	s3 =	sadd.s32 s4, s19  }
0x9c: {  	s7 =	simm.s32 $0x0;
	s20 =	sshll.u32 s5, $0x1;
	s5 =	sadd.s32 s21, s3  }
0x9d: {  	[timem:s7], [sflag:s22] =	dma.local [hbm:s5], s20  }
0x9e: {  	_ =	swait.ge [sflag:s22], s20  }
0x9f: {  	s4 =	ssub.s32 $0x0, s20;
	[sflag:s22] =	ssyncset.done $0x0  }
0xa0: {  	[sflag:s22] =	ssyncadd.s32 s4;
	_ =	sdelay $0x1  }
0xa1: {  	s23 =	simm.s32 $0x1B8B  }
0xa2: {  	_ =	swait.ge [sflag:s23], $0x1  }
0xa3: {  	[sflag:s23] =	ssyncset.done $0x0  }
0xa4: {  	s25 =	simm.s32 $0x1B8E;
	s24 =	sld [smem:$0x3FFE];
	[sflag:s23] =	ssyncadd.s32 $0xFFFFFFFF  }
0xa5: {  	s26 =	simm.s32 $execute0_lowered;
	[smem:$0x3FD2] =	sst s25  }
0xa6: {  	s5 =	sshll.u32 s26, $0x1;
	_ =	strace $0x80000049;
	[dreg:$0x1] =	wrdreg $0xFFFFFFFF  }
0xa7: {  	s28 =	simm.s32 $_size_execute0_lowered;
	s3 =	sadd.s32 s3, s5;
	[dreg:$0x0] =	wrdreg $0x0  }
0xa8: {  	s5 =	sshll.u32 s28, $0x1;
	[dreg:$0x2] =	wrdreg s3  }
0xa9: {  	[dreg:$0x3] =	wrdreg s5  }
0xaa: {  	[dreg:$0x4] =	wrdreg $0xC0  }
0xab: {  	_ =	task [dreg:s7], $0x5FFFF  }
0xac: {  	[dreg:$0x1] =	wrdreg $0xFFFFFFFF  }
0xad: {  	[dreg:$0x0] =	wrdreg $0x60  }
0xae: {  	[dreg:$0x2] =	wrdreg s2  }
0xaf: {  	[dreg:$0x3] =	wrdreg s24  }
0xb0: {  	[dreg:$0x4] =	wrdreg $0x67200  }
0xb1: {  	[dreg:$0x5] =	wrdreg $0x8EA00  }
0xb2: {  	[dreg:$0x6] =	wrdreg $0x9  }
0xb3: {  	_ =	task.clear_ibuf [dreg:s7], $0x7FFFF;
	_ =	strace $0x90000049  }
0xb4: {  	s29 =	simm.s32 $0x9;
	_ =	strace $0x8000004B  }
0xb5: {  	_ =	swait.ge [sflag:s29], $0x1  }
0xb6: {  	[sflag:s29] =	ssyncadd.s32 $0xFFFFFFFF  }
0xb7: {  	_ =	strace $0x9000004B  }
0xb8: {  	_ =	sfence  }
0xb9: {  	s30 =	sld [smem:$0x0];
	_ =	sdelay $0x2  }
0xba: {  	s31 =	sshll.u32 s1, $0xD;
	s1 =	sshrl.u32 s1, $0x2  }
0xbb: {  	s3 =	sand.u32 $0x4000, s31;
	s1 =	sadd.s32 s1, s30  }
0xbc: {  	s0 =	sor.u32 s3, s0;
	s1 =	sshll.u32 s1, $0x11  }
0xbd: {  	s0 =	sor.u32 s1, s0  }
0xbe: {  	s0 =	sadd.s32 $0x8F2B, s0  }
0xbf: {  	[sflag:s0] =	ssyncadd.remote.s32 $0x1  }
0xc0: {  	_ =	sfence.sel $0xFFFF  }
0xc1: {  	[dreg:$0x0] =	wrdreg $0xFFFFFFFF;
	(pc) =	sbr.abs _section_cstart, $3  }
0xc2: {  	[dreg:$0x1] =	wrdreg $0xFFFFFFFF  }
0xc3: {  	_ =	task.clear_ibuf [dreg:s7], $0x2FFFF;
	_ =	strace $0x9FFFFFFF  }
0xc4: {  	(tm) =	ssettm $0x7FFFFFFF  }
0xc5: {  	_ =	shalt  }
tec
execute0_lowered:
.L_overlay_start_1:
0x0: {  	(tag) =	ssettag $0x1  }
0x1: {  	s0 =	srdreg.scid;
	s1 =	rddreg [dreg:$0x0]  }
0x2: {  	s11 =	stileid.u32;
	s5 =	rddreg [dreg:$0x1];
	s4 =	simm.s32 $0x0  }
0x3: {  	s13 =	simm.s32 $0xB;
	s15 =	simm.s32 $0x2710;
	s16 =	simm.s32 $0x50  }
0x4: {  	s17 =	simm.s32 $0x4E20;
	s18 =	simm.s32 $0x5320;
	s20 =	simm.s32 $0x5820  }
0x5: {  	s29 =	simm.s32 $0x3;
	s31 =	simm.s32 $0x4;
	s21 =	simm.s32 $0x6  }
0x6: {  	s28 =	simm.s32 $0x8;
	s30 =	simm.s32 $0x9;
	s19 =	simm.s32 $0x0  }
0x7: {  	s0 =	sand.u32 $0x1, s0;
	s7 =	smul.u32 $0x2780, s11;
	[smem:$0x7FF] =	sst s4  }
0x8: {  	s25 =	sshll.u32 s11, $0x6;
	s2 =	sshll.u32 s0, $0x4;
	s8 =	smul.u32 $0x27800, s0  }
0x9: {  	s0 =	ssub.s32 $0x2, s0;
	s3 =	sor.u32 s11, s2;
	s2 =	rddreg [dreg:$0x2]  }
0xa: {  	s23 =	sshrl.u32 s7, $0x3;
	s24 =	sshrl.u32 s0, $0x1;
	s6 =	smul.u32 $0x2710, s3  }
0xb: {  	s3 =	rddreg [dreg:$0x3];
	_ =	strace $0x8000004A;
	s22 =	sadd.s32 s7, s8  }
0xc: {  	s10 =	sadd.s32 s23, s5;
	s0 =	ssub.s32 s0, s24;
	s12 =	sadd.s32 s7, s2  }
0xd: {  	s1 =	sadd.s32 s1, s23;
	s24 =	simm.s32 $0x6220;
	s23 =	simm.s32 $0x7  }
0xe: {  	s10 =	sadd.s32 $0x17200, s10;
	s7 =	sadd.s32 s7, s3;
	[dreg:$0x6] =	wrdreg s1  }
0xf: {  	s11 =	smax.u32 s0, $0x1;
	s12 =	sshrl.u32 s12, $0x3;
	s0 =	simm.s32 $0x5  }
0x10: {  	s1 =	simm.s32 $0xA;
	s6 =	sshrl.u32 s6, $0x3;
	[dreg:$0x5] =	wrdreg s10  }
0x11: {  	s14 =	sshrl.u32 s7, $0x3;
	s9 =	sadd.s32 s6, s5;
	s6 =	sshrl.u32 s22, $0x3  }
0x12: {  	s22 =	simm.s32 $0x5D20;
	s5 =	sadd.s32 s6, s5;
	s6 =	sor.u32 $0x1C0B, s25  }
0x13: {  	s26 =	sadd.s32 $0x3800, s9;
	s9 =	sadd.s32 $0xD440, s9;
	s25 =	simm.s32 $0x1  }
0x14: {  	[dreg:$0x7] =	wrdreg s26;
	s10 =	sadd.s32 $0x1C200, s5;
	s26 =	simm.s32 $0x2  }
.LBB2_1:
0x15: {  	s5 =	rddreg [dreg:$0x5]  }
0x16: {  	[spmem:s12], [sflag:s6] =	dma.local [hbm:s5], $0x4F0  }
0x17: {  	_ =	swait.ge [sflag:s13], $0x4F0  }
0x18: {  	[sflag:s13] =	ssyncset.done $0x0  }
0x19: {  	s7 =	rddreg [dreg:$0x6];
	[sflag:s13] =	ssyncadd.s32 $0xFFFFFB10  }
0x1a: {  	[spmem:s14], [sflag:s6] =	dma.local [hbm:s7], $0x4F0  }
0x1b: {  	_ =	swait.ge [sflag:s13], $0x4F0  }
0x1c: {  	[sflag:s13] =	ssyncset.done $0x0  }
0x1d: {  	s8 =	rddreg [dreg:$0x7];
	[sflag:s13] =	ssyncadd.s32 $0xFFFFFB10  }
0x1e: {  	[tilespmem:s4], [sflag:$0xB] =	stream.linear.gather [hbm4b:s8+s4], $0x2710, $0x38;
	[tilespmem:$0xB620] =	vst v63  }
0x1f: {  	_ =	swait.ge [sflag:s13], $0x2710  }
0x20: {  	[sflag:s13] =	ssyncset.done $0x0  }
0x21: {  	[sflag:s13] =	ssyncadd.s32 $0xFFFFD8F0  }
0x22: {  	[tilespmem:s15], [sflag:$0xB] =	stream.linear.gather [hbm4b:s9+s4], $0x2710, $0x38;
	[tilespmem:$0xB620] =	vst v63  }
0x23: {  	_ =	swait.ge [sflag:s13], $0x2710  }
0x24: {  	[sflag:s13] =	ssyncset.done $0x0  }
0x25: {  	[sflag:s13] =	ssyncadd.s32 $0xFFFFD8F0  }
0x26: {  	[bflag:$0x0] =	sbarrier.arrive $0xFFFF  }
0x27: {  	[tilespmem:s17], [sflag:$0x1] =	stream.indirect.gather [spmem:s3], $0x10, s4, s16, $0xb8;
	[tilespmem:$0xB620] =	vst v63  }
0x28: {  	_ = 	snop  }
0x29: {  	[tilespmem:s18], [sflag:$0x2] =	stream.indirect.gather [spmem:s3], $0x10, s16, s16, $0xb8;
	[tilespmem:$0xB620] =	vst v63  }
0x2a: {  	s7 =	simm.s32 $0xA0  }
0x2b: {  	[tilespmem:s20], [sflag:$0x3] =	stream.indirect.gather [spmem:s3], $0x10, s7, s16, $0xb8;
	[tilespmem:$0xB620] =	vst v63  }
0x2c: {  	s8 =	simm.s32 $0xF0  }
0x2d: {  	[tilespmem:s22], [sflag:$0x4] =	stream.indirect.gather [spmem:s3], $0x10, s8, s16, $0xb8;
	[tilespmem:$0xB620] =	vst v63  }
0x2e: {  	s7 =	simm.s32 $0x140  }
0x2f: {  	[tilespmem:s24], [sflag:$0x5] =	stream.indirect.gather [spmem:s3], $0x10, s7, s16, $0xb8;
	[tilespmem:$0xB620] =	vst v63  }
0x30: {  	_ =	swait.ge [sflag:s25], $0x500  }
0x31: {  	[sflag:s25] =	ssyncset.done $0x0  }
0x32: {  	[sflag:s25] =	ssyncadd.s32 $0xFFFFFB00  }
0x33: {  	[spmem:s2] =	stream.indirect.scatter.add.f32 [tilespmem:s17], [sflag:$0x6], $0x10, s15, s16, $0xb8;
	[tilespmem:$0xB620] =	vst v63  }
0x34: {  	_ =	swait.ge [sflag:s26], $0x500  }
0x35: {  	[sflag:s26] =	ssyncset.done $0x0  }
0x36: {  	s8 =	simm.s32 $0x2760;
	[sflag:s26] =	ssyncadd.s32 $0xFFFFFB00  }
0x37: {  	[spmem:s2] =	stream.indirect.scatter.add.f32 [tilespmem:s18], [sflag:$0x7], $0x10, s8, s16, $0xb8;
	[tilespmem:$0xB620] =	vst v63  }
0x38: {  	_ =	swait.ge [sflag:s29], $0x500  }
0x39: {  	[sflag:s29] =	ssyncset.done $0x0  }
0x3a: {  	s7 =	simm.s32 $0x27B0;
	[sflag:s29] =	ssyncadd.s32 $0xFFFFFB00  }
0x3b: {  	[spmem:s2] =	stream.indirect.scatter.add.f32 [tilespmem:s20], [sflag:$0x8], $0x10, s7, s16, $0xb8;
	[tilespmem:$0xB620] =	vst v63  }
0x3c: {  	_ =	swait.ge [sflag:s31], $0x500  }
0x3d: {  	[sflag:s31] =	ssyncset.done $0x0  }
0x3e: {  	s8 =	simm.s32 $0x2800;
	[sflag:s31] =	ssyncadd.s32 $0xFFFFFB00  }
0x3f: {  	[spmem:s2] =	stream.indirect.scatter.add.f32 [tilespmem:s22], [sflag:$0x9], $0x10, s8, s16, $0xb8;
	[tilespmem:$0xB620] =	vst v63  }
0x40: {  	_ =	swait.ge [sflag:s0], $0x500  }
0x41: {  	[sflag:s0] =	ssyncset.done $0x0  }
0x42: {  	s7 =	simm.s32 $0x2850;
	[sflag:s0] =	ssyncadd.s32 $0xFFFFFB00  }
0x43: {  	[spmem:s2] =	stream.indirect.scatter.add.f32 [tilespmem:s24], [sflag:$0xA], $0x10, s7, s16, $0xb8;
	[tilespmem:$0xB620] =	vst v63  }
0x44: {  	_ =	swait.ge [sflag:s21], $0x500  }
0x45: {  	[sflag:s21] =	ssyncset.done $0x0  }
0x46: {  	[sflag:s21] =	ssyncadd.s32 $0xFFFFFB00  }
0x47: {  	_ =	swait.ge [sflag:s23], $0x500  }
0x48: {  	[sflag:s23] =	ssyncset.done $0x0  }
0x49: {  	[sflag:s23] =	ssyncadd.s32 $0xFFFFFB00  }
0x4a: {  	_ =	swait.ge [sflag:s28], $0x500  }
0x4b: {  	[sflag:s28] =	ssyncset.done $0x0  }
0x4c: {  	[sflag:s28] =	ssyncadd.s32 $0xFFFFFB00  }
0x4d: {  	_ =	swait.ge [sflag:s30], $0x500  }
0x4e: {  	[sflag:s30] =	ssyncset.done $0x0  }
0x4f: {  	[sflag:s30] =	ssyncadd.s32 $0xFFFFFB00  }
0x50: {  	_ =	swait.ge [sflag:s1], $0x500  }
0x51: {  	[sflag:s1] =	ssyncset.done $0x0  }
0x52: {  	s8 =	simm.s32 $0x190;
	[sflag:s1] =	ssyncadd.s32 $0xFFFFFB00  }
0x53: {  	[tilespmem:s17], [sflag:$0x1] =	stream.indirect.gather [spmem:s3], $0x10, s8, s16, $0xb8;
	[tilespmem:$0xB620] =	vst v63  }
0x54: {  	s7 =	simm.s32 $0x1E0  }
0x55: {  	[tilespmem:s18], [sflag:$0x2] =	stream.indirect.gather [spmem:s3], $0x10, s7, s16, $0xb8;
	[tilespmem:$0xB620] =	vst v63  }
0x56: {  	s8 =	simm.s32 $0x230  }
0x57: {  	[tilespmem:s20], [sflag:$0x3] =	stream.indirect.gather [spmem:s3], $0x10, s8, s16, $0xb8;
	[tilespmem:$0xB620] =	vst v63  }
0x58: {  	s7 =	simm.s32 $0x280  }
0x59: {  	[tilespmem:s22], [sflag:$0x4] =	stream.indirect.gather [spmem:s3], $0x10, s7, s16, $0xb8;
	[tilespmem:$0xB620] =	vst v63  }
0x5a: {  	s8 =	simm.s32 $0x2D0  }
0x5b: {  	[tilespmem:s24], [sflag:$0x5] =	stream.indirect.gather [spmem:s3], $0x10, s8, s16, $0xb8;
	[tilespmem:$0xB620] =	vst v63  }
0x5c: {  	_ =	swait.ge [sflag:s25], $0x500  }
0x5d: {  	[sflag:s25] =	ssyncset.done $0x0  }
0x5e: {  	s7 =	simm.s32 $0x28A0;
	[sflag:s25] =	ssyncadd.s32 $0xFFFFFB00  }
0x5f: {  	[spmem:s2] =	stream.indirect.scatter.add.f32 [tilespmem:s17], [sflag:$0x6], $0x10, s7, s16, $0xb8;
	[tilespmem:$0xB620] =	vst v63  }
0x60: {  	_ =	swait.ge [sflag:s26], $0x500  }
0x61: {  	[sflag:s26] =	ssyncset.done $0x0  }
0x62: {  	s8 =	simm.s32 $0x28F0;
	[sflag:s26] =	ssyncadd.s32 $0xFFFFFB00  }
0x63: {  	[spmem:s2] =	stream.indirect.scatter.add.f32 [tilespmem:s18], [sflag:$0x7], $0x10, s8, s16, $0xb8;
	[tilespmem:$0xB620] =	vst v63  }
0x64: {  	_ =	swait.ge [sflag:s29], $0x500  }
0x65: {  	[sflag:s29] =	ssyncset.done $0x0  }
0x66: {  	s7 =	simm.s32 $0x2940;
	[sflag:s29] =	ssyncadd.s32 $0xFFFFFB00  }
0x67: {  	[spmem:s2] =	stream.indirect.scatter.add.f32 [tilespmem:s20], [sflag:$0x8], $0x10, s7, s16, $0xb8;
	[tilespmem:$0xB620] =	vst v63  }
0x68: {  	_ =	swait.ge [sflag:s31], $0x500  }
0x69: {  	[sflag:s31] =	ssyncset.done $0x0  }
0x6a: {  	s8 =	simm.s32 $0x2990;
	[sflag:s31] =	ssyncadd.s32 $0xFFFFFB00  }
0x6b: {  	[spmem:s2] =	stream.indirect.scatter.add.f32 [tilespmem:s22], [sflag:$0x9], $0x10, s8, s16, $0xb8;
	[tilespmem:$0xB620] =	vst v63  }
0x6c: {  	_ =	swait.ge [sflag:s0], $0x500  }
0x6d: {  	[sflag:s0] =	ssyncset.done $0x0  }
0x6e: {  	s5 =	simm.s32 $0x640;
	s7 =	simm.s32 $0x29E0;
	[sflag:s0] =	ssyncadd.s32 $0xFFFFFB00  }
.LBB2_2:
0x6f: {  	[spmem:s2] =	stream.indirect.scatter.add.f32 [tilespmem:s24], [sflag:$0xA], $0x10, s7, s16, $0xb8;
	[tilespmem:$0xB620] =	vst v63  }
0x70: {  	s7 =	smov.u32 s5  }
0x71: {  	p0 =	sne.s32 s5, $0x8FC0;
	s5 =	sadd.s32 $0x640, s5;
	_ =	swait.ge [sflag:s21], $0x500  }
0x72: {  	[sflag:s21] =	ssyncset.done $0x0  }
0x73: {  	[sflag:s21] =	ssyncadd.s32 $0xFFFFFB00  }
0x74: {  	_ =	swait.ge [sflag:s23], $0x500  }
0x75: {  	[sflag:s23] =	ssyncset.done $0x0  }
0x76: {  	[sflag:s23] =	ssyncadd.s32 $0xFFFFFB00  }
0x77: {  	_ =	swait.ge [sflag:s28], $0x500  }
0x78: {  	[sflag:s28] =	ssyncset.done $0x0  }
0x79: {  	[sflag:s28] =	ssyncadd.s32 $0xFFFFFB00  }
0x7a: {  	_ =	swait.ge [sflag:s30], $0x500  }
0x7b: {  	[sflag:s30] =	ssyncset.done $0x0  }
0x7c: {  	[sflag:s30] =	ssyncadd.s32 $0xFFFFFB00  }
0x7d: {  	_ =	swait.ge [sflag:s1], $0x500  }
0x7e: {  	s7 =	sshra.s32 s7, $0x2;
	[sflag:s1] =	ssyncset.done $0x0  }
0x7f: {  	s8 =	sadd.s32 $0x190, s7;
	[sflag:s1] =	ssyncadd.s32 $0xFFFFFB00  }
0x80: {  	[tilespmem:s17], [sflag:$0x1] =	stream.indirect.gather [spmem:s3], $0x10, s8, s16, $0xb8;
	[tilespmem:$0xB620] =	vst v63  }
0x81: {  	s8 =	sadd.s32 $0x1E0, s7  }
0x82: {  	[tilespmem:s18], [sflag:$0x2] =	stream.indirect.gather [spmem:s3], $0x10, s8, s16, $0xb8;
	[tilespmem:$0xB620] =	vst v63  }
0x83: {  	s8 =	sadd.s32 $0x230, s7  }
0x84: {  	[tilespmem:s20], [sflag:$0x3] =	stream.indirect.gather [spmem:s3], $0x10, s8, s16, $0xb8;
	[tilespmem:$0xB620] =	vst v63  }
0x85: {  	s8 =	sadd.s32 $0x280, s7  }
0x86: {  	[tilespmem:s22], [sflag:$0x4] =	stream.indirect.gather [spmem:s3], $0x10, s8, s16, $0xb8;
	[tilespmem:$0xB620] =	vst v63  }
0x87: {  	s8 =	sadd.s32 $0x2D0, s7  }
0x88: {  	[tilespmem:s24], [sflag:$0x5] =	stream.indirect.gather [spmem:s3], $0x10, s8, s16, $0xb8;
	[tilespmem:$0xB620] =	vst v63  }
0x89: {  	_ =	swait.ge [sflag:s25], $0x500  }
0x8a: {  	[sflag:s25] =	ssyncset.done $0x0  }
0x8b: {  	s8 =	sadd.s32 $0x28A0, s7;
	[sflag:s25] =	ssyncadd.s32 $0xFFFFFB00  }
0x8c: {  	[spmem:s2] =	stream.indirect.scatter.add.f32 [tilespmem:s17], [sflag:$0x6], $0x10, s8, s16, $0xb8;
	[tilespmem:$0xB620] =	vst v63  }
0x8d: {  	_ =	swait.ge [sflag:s26], $0x500  }
0x8e: {  	[sflag:s26] =	ssyncset.done $0x0  }
0x8f: {  	s8 =	sadd.s32 $0x28F0, s7;
	[sflag:s26] =	ssyncadd.s32 $0xFFFFFB00  }
0x90: {  	[spmem:s2] =	stream.indirect.scatter.add.f32 [tilespmem:s18], [sflag:$0x7], $0x10, s8, s16, $0xb8;
	[tilespmem:$0xB620] =	vst v63  }
0x91: {  	_ =	swait.ge [sflag:s29], $0x500  }
0x92: {  	[sflag:s29] =	ssyncset.done $0x0  }
0x93: {  	s8 =	sadd.s32 $0x2940, s7;
	[sflag:s29] =	ssyncadd.s32 $0xFFFFFB00  }
0x94: {  	[spmem:s2] =	stream.indirect.scatter.add.f32 [tilespmem:s20], [sflag:$0x8], $0x10, s8, s16, $0xb8;
	[tilespmem:$0xB620] =	vst v63  }
0x95: {  	_ =	swait.ge [sflag:s31], $0x500  }
0x96: {  	[sflag:s31] =	ssyncset.done $0x0  }
.Ltmp0:
0x97: {  	s8 =	sadd.s32 $0x2990, s7;
	[sflag:s31] =	ssyncadd.s32 $0xFFFFFB00;
	(pc) =	sbr.rel @p0 .LBB2_2-.Ltmp0, $4  }
0x98: {  	[spmem:s2] =	stream.indirect.scatter.add.f32 [tilespmem:s22], [sflag:$0x9], $0x10, s8, s16, $0xb8;
	[tilespmem:$0xB620] =	vst v63  }
0x99: {  	_ =	swait.ge [sflag:s0], $0x500  }
0x9a: {  	[sflag:s0] =	ssyncset.done $0x0  }
0x9b: {  	s7 =	sadd.s32 $0x29E0, s7;
	[sflag:s0] =	ssyncadd.s32 $0xFFFFFB00  }
0x9c: {  	[spmem:s2] =	stream.indirect.scatter.add.f32 [tilespmem:s24], [sflag:$0xA], $0x10, s7, s16, $0xb8;
	[tilespmem:$0xB620] =	vst v63  }
0x9d: {  	_ =	swait.ge [sflag:s21], $0x500  }
0x9e: {  	[sflag:s21] =	ssyncset.done $0x0  }
0x9f: {  	[sflag:s21] =	ssyncadd.s32 $0xFFFFFB00  }
0xa0: {  	_ =	swait.ge [sflag:s23], $0x500  }
0xa1: {  	[sflag:s23] =	ssyncset.done $0x0  }
0xa2: {  	[sflag:s23] =	ssyncadd.s32 $0xFFFFFB00  }
0xa3: {  	_ =	swait.ge [sflag:s28], $0x500  }
0xa4: {  	[sflag:s28] =	ssyncset.done $0x0  }
0xa5: {  	[sflag:s28] =	ssyncadd.s32 $0xFFFFFB00  }
0xa6: {  	_ =	swait.ge [sflag:s30], $0x500  }
0xa7: {  	[sflag:s30] =	ssyncset.done $0x0  }
0xa8: {  	[sflag:s30] =	ssyncadd.s32 $0xFFFFFB00  }
0xa9: {  	_ =	swait.ge [sflag:s1], $0x500  }
0xaa: {  	s19 =	sadd.s32 $0x1, s19;
	[sflag:s1] =	ssyncset.done $0x0  }
0xab: {  	p0 =	sne.s32 s19, s11;
	[sflag:s1] =	ssyncadd.s32 $0xFFFFFB00  }
.Ltmp1:
0xac: {  	[bflag:$0x0] =	sbarrier.arrive $0xFFFF;
	(pc) =	sbr.rel @p0 .LBB2_1-.Ltmp1, $4  }
0xad: {  	[hbm:s10], [sflag:s6] =	dma.local [spmem:s12], $0x4F0  }
0xae: {  	_ =	swait.ge [sflag:s13], $0x4F0  }
0xaf: {  	[sflag:s13] =	ssyncset.done $0x0  }
0xb0: {  	[sflag:s13] =	ssyncadd.s32 $0xFFFFFB10  }
0xb1: {  	_ =	sfence.sel $0x180000  }
0xb2: {  	[bflag:$0x0] =	sbarrier.arrive $0xFFFF  }
0xb3: {  	_ =	strace $0x9000004A  }
0xb4: {  	s0 =	stileid.u32;
	[bflag:$0x2] =	sbarrier.arrive $0xFFFF  }
0xb5: {  	p0 =	sne.s32 s0, $0x0;
	s0 =	rddreg [dreg:$0x4]  }
0xb6: {  	s0 =	sadd.s32 @!p0 $0x100000, s0  }
0xb7: {  	[sflag:s0] =	ssyncadd.tile.s32 @!p0 $0x1;
	_ =	shalt  }
.Lfunc_end2:
_tile_overlayer_lowered:
.L_overlay_start_2:
0xb8: {  	(tag) =	ssettag $0x2  }
0xb9: {  	s0 =	rddreg [dreg:$0x0];
	s2 =	stileid.u32  }
0xba: {  	s1 =	rddreg [dreg:$0x1];
	p0 =	sne.s32 s2, $0x0  }
0xbb: {  	s3 =	rddreg [dreg:$0x2];
	[bflag:$0x3] =	sbarrier.arrive $0xFFFF;
	s2 =	simm.s32 @!p0 $0x1C0B  }
0xbc: {  	[timem:s3], [sflag:s2] =	dma.local @!p0 [hbm:s0], s1  }
0xbd: {  	s0 =	simm.s32 @!p0 $0xB  }
0xbe: {  	_ =	swait.ge @!p0 [sflag:s0], s1  }
0xbf: {  	s1 =	ssub.s32 @!p0 $0x0, s1;
	[sflag:s0] =	ssyncset.done @!p0 $0x0  }
0xc0: {  	[sflag:s0] =	ssyncadd.s32 @!p0 s1  }
0xc1: {  	[bflag:$0x3] =	sbarrier.arrive $0xFFFF  }
0xc2: {  	_ =	shalt  }

// kernel: kernel.14.cloned.1.call-start
scs
__scs_entry_jumppad:
0x0: {  	(pc) =	sbr.rel $0x88, $3  }
0x1: {  	(tag) =	ssettag $0x0;
	lr =	simm.s32 $0x1  }
0x2: {  	[smem:$0x3F99] =	sst lr;
	_ =	strace $0xD0000000  }
0x3: {  	_ = 	snop  }
0x4: {  	_ = 	snop  }
0x5: {  	_ = 	snop  }
0x6: {  	_ = 	snop  }
0x7: {  	_ = 	snop  }
__scs_overlays_trampoline_lowered:
0x8: {  	[smem:$0x3FA8] =	sst s0  }
0x9: {  	[smem:$0x3FA9] =	sst s1  }
0xa: {  	[smem:$0x3FAA] =	sst s2  }
0xb: {  	[smem:$0x3FAB] =	sst s3  }
0xc: {  	[smem:$0x3FAC] =	sst s4  }
0xd: {  	[smem:$0x3FAD] =	sst s5  }
0xe: {  	[smem:$0x3FAE] =	sst s6  }
0xf: {  	[smem:$0x3FAF] =	sst s7  }
0x10: {  	[smem:$0x3FB0] =	sst s8  }
0x11: {  	[smem:$0x3FB1] =	sst s9;
	s0 =	simm.s32 @!p0 $0x0  }
0x12: {  	s1 =	sld [smem:$0x3F97];
	s0 =	simm.s32 @p0 $0x1  }
0x13: {  	[smem:$0x3FB2] =	sst s0;
	s0 =	simm.s32 @!p1 $0x0  }
0x14: {  	s2 =	sld [smem:$0x3F96];
	s0 =	simm.s32 @p1 $0x1  }
0x15: {  	[smem:$0x3FB3] =	sst s0;
	s0 =	simm.s32 @!p2 $0x0  }
0x16: {  	s3 =	sld [smem:$0x3FDB];
	s0 =	simm.s32 @p2 $0x1  }
0x17: {  	s4 =	simm.s32 $0x1BF5;
	[smem:$0x3FB5] =	sst s0  }
0x18: {  	s0 =	sld [smem:$0x3F98];
	_ =	swait.ge [sflag:s4], $0x0  }
0x19: {  	s7 =	sld [smem:$0x3F99]  }
0x1a: {  	s8 =	sadd.s32 $0xFFFFE003, lr  }
0x1b: {  	s9 =	sadd.s32 $0xFFFFFEF7, lr;
	s5 =	simm.s32 $0xFFFFFFFF;
	p2 =	slt.u32 s8, $0xFFFFF086  }
0x1c: {  	p1 =	slt.u32 s9, $0xF7A;
	s5 =	simm.s32 @!p2 $0x0  }
0x1d: {  	s5 =	simm.s32 @p1 $0x1;
	p0 =	seq.s32 s7, s2  }
0x1e: {  	s7 =	smul.u32 @!p0 $0xF7A, s2;
	p2 =	seq.s32 @!p0 s5, $0x0  }
0x1f: {  	s9 =	smul.u32 $0xF7A, s1;
	s8 =	simm.s32 @!p0 $0x1BF5;
	p2 =	por !p2, p0  }
0x20: {  	[sflag:s8] =	ssyncset.s32 @!p0 $0xFFFFF086;
	s6 =	sadd.s32 @!p0 s3, s7;
	s7 =	simm.s32 @!p0 $0x108  }
0x21: {  	s3 =	sadd.s32 s3, s9;
	s6 =	sadd.s32 @!p0 $0x88, s6;
	s7 =	simm.s32 @p2 $0x1082  }
0x22: {  	[simem:s7], [sflag:s8] =	dma.local @!p0 [hbm:s6], $0xF7A  }
0x23: {  	s9 =	sor.u32 $0xD0000000, s2;
	s6 =	simm.s32 $0x108;
	_ =	swait.ge @!p0 [sflag:s8], $0x0  }
0x24: {  	s3 =	sadd.s32 $0x88, s3;
	s6 =	simm.s32 @!p1 $0x1082;
	[sflag:s4] =	ssyncset.s32 $0xFFFFF086  }
0x25: {  	[simem:s6], [sflag:s4] =	dma.local [hbm:s3], $0xF7A  }
0x26: {  	[smem:$0x3F99] =	sst s1;
	(tag) =	ssettag s2;
	_ =	strace s9  }
0x27: {  	s1 =	sld [smem:$0x3FA9]  }
0x28: {  	s2 =	sld [smem:$0x3FAA]  }
0x29: {  	s4 =	sld [smem:$0x3FAC]  }
0x2a: {  	p0 =	seq.s32 s5, $0x0;
	s5 =	sld [smem:$0x3FAD]  }
0x2b: {  	s6 =	sld [smem:$0x3FAE]  }
0x2c: {  	s7 =	sld [smem:$0x3FAF]  }
0x2d: {  	s3 =	simm.s32 $0x108;
	s8 =	sld [smem:$0x3FB0]  }
0x2e: {  	s3 =	simm.s32 @!p0 $0x1082;
	s9 =	sld [smem:$0x3FB1]  }
0x2f: {  	lr =	sadd.s32 s0, s3;
	s0 =	sld [smem:$0x3FA8]  }
0x30: {  	s3 =	sld [smem:$0x3FAB]  }
0x31: {  	[smem:$0x3FB4] =	sst s10  }
0x32: {  	s10 =	sld [smem:$0x3FB2];
	_ =	sdelay $0x3  }
0x33: {  	p0 =	seq.s32 s10, $0x1;
	s10 =	sld [smem:$0x3FB4];
	_ =	sdelay $0x3  }
0x34: {  	[smem:$0x3FB4] =	sst s10  }
0x35: {  	s10 =	sld [smem:$0x3FB3];
	_ =	sdelay $0x3  }
0x36: {  	p1 =	seq.s32 s10, $0x1;
	s10 =	sld [smem:$0x3FB4];
	_ =	sdelay $0x3  }
0x37: {  	[smem:$0x3FB4] =	sst s10  }
0x38: {  	s10 =	sld [smem:$0x3FB5]  }
0x39: {  	_ = 	snop;
	(pc) =	sbr.ind lr, $3  }
0x3a: {  	_ = 	snop  }
0x3b: {  	_ = 	snop  }
0x3c: {  	p2 =	seq.s32 s10, $0x1;
	s10 =	sld [smem:$0x3FB4]  }
0x3d: {  	_ =	shalt  }
0x3e: {  	_ =	shalt  }
0x3f: {  	_ =	shalt  }
0x40: {  	_ =	shalt  }
0x41: {  	_ =	shalt  }
0x42: {  	_ =	shalt  }
0x43: {  	_ =	shalt  }
0x44: {  	_ =	shalt  }
0x45: {  	_ =	shalt  }
0x46: {  	_ =	shalt  }
0x47: {  	_ =	shalt  }
0x48: {  	_ =	shalt  }
0x49: {  	_ =	shalt  }
0x4a: {  	_ =	shalt  }
0x4b: {  	_ =	shalt  }
0x4c: {  	_ =	shalt  }
0x4d: {  	_ =	shalt  }
0x4e: {  	_ =	shalt  }
0x4f: {  	_ =	shalt  }
0x50: {  	_ =	shalt  }
0x51: {  	_ =	shalt  }
0x52: {  	_ =	shalt  }
0x53: {  	_ =	shalt  }
0x54: {  	_ =	shalt  }
0x55: {  	_ =	shalt  }
0x56: {  	_ =	shalt  }
0x57: {  	_ =	shalt  }
0x58: {  	_ =	shalt  }
0x59: {  	_ =	shalt  }
0x5a: {  	_ =	shalt  }
0x5b: {  	_ =	shalt  }
0x5c: {  	_ =	shalt  }
0x5d: {  	_ =	shalt  }
0x5e: {  	_ =	shalt  }
0x5f: {  	_ =	shalt  }
0x60: {  	_ =	shalt  }
0x61: {  	_ =	shalt  }
0x62: {  	_ =	shalt  }
0x63: {  	_ =	shalt  }
0x64: {  	_ =	shalt  }
0x65: {  	_ =	shalt  }
0x66: {  	_ =	shalt  }
0x67: {  	_ =	shalt  }
0x68: {  	_ =	shalt  }
0x69: {  	_ =	shalt  }
0x6a: {  	_ =	shalt  }
0x6b: {  	_ =	shalt  }
0x6c: {  	_ =	shalt  }
0x6d: {  	_ =	shalt  }
0x6e: {  	_ =	shalt  }
0x6f: {  	_ =	shalt  }
0x70: {  	_ =	shalt  }
0x71: {  	_ =	shalt  }
0x72: {  	_ =	shalt  }
0x73: {  	_ =	shalt  }
0x74: {  	_ =	shalt  }
0x75: {  	_ =	shalt  }
0x76: {  	_ =	shalt  }
0x77: {  	_ =	shalt  }
0x78: {  	_ =	shalt  }
0x79: {  	_ =	shalt  }
0x7a: {  	_ =	shalt  }
0x7b: {  	_ =	shalt  }
0x7c: {  	_ =	shalt  }
0x7d: {  	_ =	shalt  }
0x7e: {  	_ =	shalt  }
0x7f: {  	_ =	shalt  }
0x80: {  	_ =	shalt  }
0x81: {  	_ =	shalt  }
0x82: {  	_ =	shalt  }
0x83: {  	_ =	shalt  }
0x84: {  	_ =	shalt  }
0x85: {  	_ =	shalt  }
0x86: {  	_ =	shalt  }
0x87: {  	_ =	shalt  }
.Lfunc_end0:
.L_simem_size_0:
called_computation.2_lowered:
.L_overlay_start_0:
0x88: {  	s2 =	sld [smem:$0x3FD9]  }
0x89: {  	s3 =	sld [smem:$0x3FFE];
	_ =	sdelay $0x1  }
0x8a: {  	s1 =	srdreg.scid  }
0x8b: {  	s0 =	sand.u32 $0x1, s1  }
0x8c: {  	s17 =	sshll.u32 s0, $0xA;
	s2 =	sadd.s32 s3, s2  }
0x8d: {  	s2 =	sadd.s32 s2, s17  }
0x8e: {  	[smem:$0x3FC0] =	sst s2  }
0x8f: {  	_ = 	snop  }
0x90: {  	s2 =	sld [smem:$0x3FD0];
	(tm) =	ssettm $0x1  }
0x91: {  	s18 =	sld [smem:$0x3FFB];
	_ =	sdelay $0x3  }
0x92: {  	_ =	strace s18  }
0x93: {  	s3 =	sld [smem:$0x3FFC];
	_ =	sdelay $0x3  }
0x94: {  	_ =	strace s3  }
0x95: {  	s3 =	sld [smem:$0x3FFD];
	_ =	sdelay $0x3  }
0x96: {  	_ =	strace s3  }
0x97: {  	_ =	strace $0x8FFFFFFF  }
0x98: {  	s19 =	sld [smem:$0x3FDB];
	_ =	sdelay $0x1  }
0x99: {  	s4 =	simm.s32 $_scs_section_size  }
0x9a: {  	s5 =	simm.s32 $_size__tile_overlayer_lowered;
	s6 =	simm.s32 $_tile_overlayer_lowered  }
0x9b: {  	s22 =	simm.s32 $0x1BFF;
	s21 =	sshll.u32 s6, $0x1;
	s3 =	sadd.s32 s4, s19  }
0x9c: {  	s7 =	simm.s32 $0x0;
	s20 =	sshll.u32 s5, $0x1;
	s5 =	sadd.s32 s21, s3  }
0x9d: {  	[timem:s7], [sflag:s22] =	dma.local [hbm:s5], s20  }
0x9e: {  	_ =	swait.ge [sflag:s22], s20  }
0x9f: {  	s4 =	ssub.s32 $0x0, s20;
	[sflag:s22] =	ssyncset.done $0x0  }
0xa0: {  	[sflag:s22] =	ssyncadd.s32 s4;
	_ =	sdelay $0x1  }
0xa1: {  	s23 =	simm.s32 $0x1B8B  }
0xa2: {  	_ =	swait.ge [sflag:s23], $0x1  }
0xa3: {  	[sflag:s23] =	ssyncset.done $0x0  }
0xa4: {  	s25 =	simm.s32 $0x1B8E;
	s24 =	sld [smem:$0x3FFE];
	[sflag:s23] =	ssyncadd.s32 $0xFFFFFFFF  }
0xa5: {  	s26 =	simm.s32 $execute0_lowered;
	[smem:$0x3FD2] =	sst s25  }
0xa6: {  	s5 =	sshll.u32 s26, $0x1;
	_ =	strace $0x8000004C;
	[dreg:$0x1] =	wrdreg $0xFFFFFFFF  }
0xa7: {  	s28 =	simm.s32 $_size_execute0_lowered;
	s3 =	sadd.s32 s3, s5;
	[dreg:$0x0] =	wrdreg $0x0  }
0xa8: {  	s5 =	sshll.u32 s28, $0x1;
	[dreg:$0x2] =	wrdreg s3  }
0xa9: {  	[dreg:$0x3] =	wrdreg s5  }
0xaa: {  	[dreg:$0x4] =	wrdreg $0xC0  }
0xab: {  	_ =	task [dreg:s7], $0x5FFFF  }
0xac: {  	[dreg:$0x1] =	wrdreg $0xFFFFFFFF  }
0xad: {  	[dreg:$0x0] =	wrdreg $0x60  }
0xae: {  	[dreg:$0x2] =	wrdreg s2  }
0xaf: {  	[dreg:$0x3] =	wrdreg s24  }
0xb0: {  	[dreg:$0x4] =	wrdreg $0x67200  }
0xb1: {  	[dreg:$0x5] =	wrdreg $0x8EA00  }
0xb2: {  	[dreg:$0x6] =	wrdreg $0x9  }
0xb3: {  	_ =	task.clear_ibuf [dreg:s7], $0x7FFFF;
	_ =	strace $0x9000004C  }
0xb4: {  	s29 =	simm.s32 $0x9;
	_ =	strace $0x8000004E  }
0xb5: {  	_ =	swait.ge [sflag:s29], $0x1  }
0xb6: {  	[sflag:s29] =	ssyncadd.s32 $0xFFFFFFFF  }
0xb7: {  	_ =	strace $0x9000004E  }
0xb8: {  	_ =	sfence  }
0xb9: {  	s30 =	sld [smem:$0x0];
	_ =	sdelay $0x2  }
0xba: {  	s31 =	sshll.u32 s1, $0xD;
	s1 =	sshrl.u32 s1, $0x2  }
0xbb: {  	s3 =	sand.u32 $0x4000, s31;
	s1 =	sadd.s32 s1, s30  }
0xbc: {  	s0 =	sor.u32 s3, s0;
	s1 =	sshll.u32 s1, $0x11  }
0xbd: {  	s0 =	sor.u32 s1, s0  }
0xbe: {  	s0 =	sadd.s32 $0x8F2B, s0  }
0xbf: {  	[sflag:s0] =	ssyncadd.remote.s32 $0x1  }
0xc0: {  	_ =	sfence.sel $0xFFFF  }
0xc1: {  	[dreg:$0x0] =	wrdreg $0xFFFFFFFF;
	(pc) =	sbr.abs _section_cstart, $3  }
0xc2: {  	[dreg:$0x1] =	wrdreg $0xFFFFFFFF  }
0xc3: {  	_ =	task.clear_ibuf [dreg:s7], $0x2FFFF;
	_ =	strace $0x9FFFFFFF  }
0xc4: {  	(tm) =	ssettm $0x7FFFFFFF  }
0xc5: {  	_ =	shalt  }
tec
execute0_lowered:
.L_overlay_start_1:
0x0: {  	(tag) =	ssettag $0x1  }
0x1: {  	s0 =	srdreg.scid;
	s1 =	rddreg [dreg:$0x0]  }
0x2: {  	s11 =	stileid.u32;
	s5 =	rddreg [dreg:$0x1];
	s4 =	simm.s32 $0x0  }
0x3: {  	s13 =	simm.s32 $0xB;
	s15 =	simm.s32 $0x2710;
	s16 =	simm.s32 $0x50  }
0x4: {  	s17 =	simm.s32 $0x4E20;
	s18 =	simm.s32 $0x5320;
	s20 =	simm.s32 $0x5820  }
0x5: {  	s29 =	simm.s32 $0x3;
	s31 =	simm.s32 $0x4;
	s21 =	simm.s32 $0x6  }
0x6: {  	s28 =	simm.s32 $0x8;
	s30 =	simm.s32 $0x9;
	s19 =	simm.s32 $0x0  }
0x7: {  	s0 =	sand.u32 $0x1, s0;
	s7 =	smul.u32 $0x2780, s11;
	[smem:$0x7FF] =	sst s4  }
0x8: {  	s25 =	sshll.u32 s11, $0x6;
	s2 =	sshll.u32 s0, $0x4;
	s8 =	smul.u32 $0x27800, s0  }
0x9: {  	s0 =	ssub.s32 $0x2, s0;
	s3 =	sor.u32 s11, s2;
	s2 =	rddreg [dreg:$0x2]  }
0xa: {  	s23 =	sshrl.u32 s7, $0x3;
	s24 =	sshrl.u32 s0, $0x1;
	s6 =	smul.u32 $0x2710, s3  }
0xb: {  	s3 =	rddreg [dreg:$0x3];
	_ =	strace $0x8000004D;
	s22 =	sadd.s32 s7, s8  }
0xc: {  	s10 =	sadd.s32 s23, s5;
	s0 =	ssub.s32 s0, s24;
	s12 =	sadd.s32 s7, s2  }
0xd: {  	s1 =	sadd.s32 s1, s23;
	s24 =	simm.s32 $0x6220;
	s23 =	simm.s32 $0x7  }
0xe: {  	s10 =	sadd.s32 $0x17200, s10;
	s7 =	sadd.s32 s7, s3;
	[dreg:$0x6] =	wrdreg s1  }
0xf: {  	s11 =	smax.u32 s0, $0x1;
	s12 =	sshrl.u32 s12, $0x3;
	s0 =	simm.s32 $0x5  }
0x10: {  	s1 =	simm.s32 $0xA;
	s6 =	sshrl.u32 s6, $0x3;
	[dreg:$0x5] =	wrdreg s10  }
0x11: {  	s14 =	sshrl.u32 s7, $0x3;
	s9 =	sadd.s32 s6, s5;
	s6 =	sshrl.u32 s22, $0x3  }
0x12: {  	s22 =	simm.s32 $0x5D20;
	s5 =	sadd.s32 s6, s5;
	s6 =	sor.u32 $0x1C0B, s25  }
0x13: {  	s26 =	sadd.s32 $0x3800, s9;
	s9 =	sadd.s32 $0xD440, s9;
	s25 =	simm.s32 $0x1  }
0x14: {  	[dreg:$0x7] =	wrdreg s26;
	s10 =	sadd.s32 $0x1C200, s5;
	s26 =	simm.s32 $0x2  }
.LBB2_1:
0x15: {  	s5 =	rddreg [dreg:$0x5]  }
0x16: {  	[spmem:s12], [sflag:s6] =	dma.local [hbm:s5], $0x4F0  }
0x17: {  	_ =	swait.ge [sflag:s13], $0x4F0  }
0x18: {  	[sflag:s13] =	ssyncset.done $0x0  }
0x19: {  	s7 =	rddreg [dreg:$0x6];
	[sflag:s13] =	ssyncadd.s32 $0xFFFFFB10  }
0x1a: {  	[spmem:s14], [sflag:s6] =	dma.local [hbm:s7], $0x4F0  }
0x1b: {  	_ =	swait.ge [sflag:s13], $0x4F0  }
0x1c: {  	[sflag:s13] =	ssyncset.done $0x0  }
0x1d: {  	s8 =	rddreg [dreg:$0x7];
	[sflag:s13] =	ssyncadd.s32 $0xFFFFFB10  }
0x1e: {  	[tilespmem:s4], [sflag:$0xB] =	stream.linear.gather [hbm4b:s8+s4], $0x2710, $0x38;
	[tilespmem:$0xB620] =	vst v63  }
0x1f: {  	_ =	swait.ge [sflag:s13], $0x2710  }
0x20: {  	[sflag:s13] =	ssyncset.done $0x0  }
0x21: {  	[sflag:s13] =	ssyncadd.s32 $0xFFFFD8F0  }
0x22: {  	[tilespmem:s15], [sflag:$0xB] =	stream.linear.gather [hbm4b:s9+s4], $0x2710, $0x38;
	[tilespmem:$0xB620] =	vst v63  }
0x23: {  	_ =	swait.ge [sflag:s13], $0x2710  }
0x24: {  	[sflag:s13] =	ssyncset.done $0x0  }
0x25: {  	[sflag:s13] =	ssyncadd.s32 $0xFFFFD8F0  }
0x26: {  	[bflag:$0x0] =	sbarrier.arrive $0xFFFF  }
0x27: {  	[tilespmem:s17], [sflag:$0x1] =	stream.indirect.gather [spmem:s3], $0x10, s4, s16, $0xb8;
	[tilespmem:$0xB620] =	vst v63  }
0x28: {  	_ = 	snop  }
0x29: {  	[tilespmem:s18], [sflag:$0x2] =	stream.indirect.gather [spmem:s3], $0x10, s16, s16, $0xb8;
	[tilespmem:$0xB620] =	vst v63  }
0x2a: {  	s7 =	simm.s32 $0xA0  }
0x2b: {  	[tilespmem:s20], [sflag:$0x3] =	stream.indirect.gather [spmem:s3], $0x10, s7, s16, $0xb8;
	[tilespmem:$0xB620] =	vst v63  }
0x2c: {  	s8 =	simm.s32 $0xF0  }
0x2d: {  	[tilespmem:s22], [sflag:$0x4] =	stream.indirect.gather [spmem:s3], $0x10, s8, s16, $0xb8;
	[tilespmem:$0xB620] =	vst v63  }
0x2e: {  	s7 =	simm.s32 $0x140  }
0x2f: {  	[tilespmem:s24], [sflag:$0x5] =	stream.indirect.gather [spmem:s3], $0x10, s7, s16, $0xb8;
	[tilespmem:$0xB620] =	vst v63  }
0x30: {  	_ =	swait.ge [sflag:s25], $0x500  }
0x31: {  	[sflag:s25] =	ssyncset.done $0x0  }
0x32: {  	[sflag:s25] =	ssyncadd.s32 $0xFFFFFB00  }
0x33: {  	[spmem:s2] =	stream.indirect.scatter.add.f32 [tilespmem:s17], [sflag:$0x6], $0x10, s15, s16, $0xb8;
	[tilespmem:$0xB620] =	vst v63  }
0x34: {  	_ =	swait.ge [sflag:s26], $0x500  }
0x35: {  	[sflag:s26] =	ssyncset.done $0x0  }
0x36: {  	s8 =	simm.s32 $0x2760;
	[sflag:s26] =	ssyncadd.s32 $0xFFFFFB00  }
0x37: {  	[spmem:s2] =	stream.indirect.scatter.add.f32 [tilespmem:s18], [sflag:$0x7], $0x10, s8, s16, $0xb8;
	[tilespmem:$0xB620] =	vst v63  }
0x38: {  	_ =	swait.ge [sflag:s29], $0x500  }
0x39: {  	[sflag:s29] =	ssyncset.done $0x0  }
0x3a: {  	s7 =	simm.s32 $0x27B0;
	[sflag:s29] =	ssyncadd.s32 $0xFFFFFB00  }
0x3b: {  	[spmem:s2] =	stream.indirect.scatter.add.f32 [tilespmem:s20], [sflag:$0x8], $0x10, s7, s16, $0xb8;
	[tilespmem:$0xB620] =	vst v63  }
0x3c: {  	_ =	swait.ge [sflag:s31], $0x500  }
0x3d: {  	[sflag:s31] =	ssyncset.done $0x0  }
0x3e: {  	s8 =	simm.s32 $0x2800;
	[sflag:s31] =	ssyncadd.s32 $0xFFFFFB00  }
0x3f: {  	[spmem:s2] =	stream.indirect.scatter.add.f32 [tilespmem:s22], [sflag:$0x9], $0x10, s8, s16, $0xb8;
	[tilespmem:$0xB620] =	vst v63  }
0x40: {  	_ =	swait.ge [sflag:s0], $0x500  }
0x41: {  	[sflag:s0] =	ssyncset.done $0x0  }
0x42: {  	s7 =	simm.s32 $0x2850;
	[sflag:s0] =	ssyncadd.s32 $0xFFFFFB00  }
0x43: {  	[spmem:s2] =	stream.indirect.scatter.add.f32 [tilespmem:s24], [sflag:$0xA], $0x10, s7, s16, $0xb8;
	[tilespmem:$0xB620] =	vst v63  }
0x44: {  	_ =	swait.ge [sflag:s21], $0x500  }
0x45: {  	[sflag:s21] =	ssyncset.done $0x0  }
0x46: {  	[sflag:s21] =	ssyncadd.s32 $0xFFFFFB00  }
0x47: {  	_ =	swait.ge [sflag:s23], $0x500  }
0x48: {  	[sflag:s23] =	ssyncset.done $0x0  }
0x49: {  	[sflag:s23] =	ssyncadd.s32 $0xFFFFFB00  }
0x4a: {  	_ =	swait.ge [sflag:s28], $0x500  }
0x4b: {  	[sflag:s28] =	ssyncset.done $0x0  }
0x4c: {  	[sflag:s28] =	ssyncadd.s32 $0xFFFFFB00  }
0x4d: {  	_ =	swait.ge [sflag:s30], $0x500  }
0x4e: {  	[sflag:s30] =	ssyncset.done $0x0  }
0x4f: {  	[sflag:s30] =	ssyncadd.s32 $0xFFFFFB00  }
0x50: {  	_ =	swait.ge [sflag:s1], $0x500  }
0x51: {  	[sflag:s1] =	ssyncset.done $0x0  }
0x52: {  	s8 =	simm.s32 $0x190;
	[sflag:s1] =	ssyncadd.s32 $0xFFFFFB00  }
0x53: {  	[tilespmem:s17], [sflag:$0x1] =	stream.indirect.gather [spmem:s3], $0x10, s8, s16, $0xb8;
	[tilespmem:$0xB620] =	vst v63  }
0x54: {  	s7 =	simm.s32 $0x1E0  }
0x55: {  	[tilespmem:s18], [sflag:$0x2] =	stream.indirect.gather [spmem:s3], $0x10, s7, s16, $0xb8;
	[tilespmem:$0xB620] =	vst v63  }
0x56: {  	s8 =	simm.s32 $0x230  }
0x57: {  	[tilespmem:s20], [sflag:$0x3] =	stream.indirect.gather [spmem:s3], $0x10, s8, s16, $0xb8;
	[tilespmem:$0xB620] =	vst v63  }
0x58: {  	s7 =	simm.s32 $0x280  }
0x59: {  	[tilespmem:s22], [sflag:$0x4] =	stream.indirect.gather [spmem:s3], $0x10, s7, s16, $0xb8;
	[tilespmem:$0xB620] =	vst v63  }
0x5a: {  	s8 =	simm.s32 $0x2D0  }
0x5b: {  	[tilespmem:s24], [sflag:$0x5] =	stream.indirect.gather [spmem:s3], $0x10, s8, s16, $0xb8;
	[tilespmem:$0xB620] =	vst v63  }
0x5c: {  	_ =	swait.ge [sflag:s25], $0x500  }
0x5d: {  	[sflag:s25] =	ssyncset.done $0x0  }
0x5e: {  	s7 =	simm.s32 $0x28A0;
	[sflag:s25] =	ssyncadd.s32 $0xFFFFFB00  }
0x5f: {  	[spmem:s2] =	stream.indirect.scatter.add.f32 [tilespmem:s17], [sflag:$0x6], $0x10, s7, s16, $0xb8;
	[tilespmem:$0xB620] =	vst v63  }
0x60: {  	_ =	swait.ge [sflag:s26], $0x500  }
0x61: {  	[sflag:s26] =	ssyncset.done $0x0  }
0x62: {  	s8 =	simm.s32 $0x28F0;
	[sflag:s26] =	ssyncadd.s32 $0xFFFFFB00  }
0x63: {  	[spmem:s2] =	stream.indirect.scatter.add.f32 [tilespmem:s18], [sflag:$0x7], $0x10, s8, s16, $0xb8;
	[tilespmem:$0xB620] =	vst v63  }
0x64: {  	_ =	swait.ge [sflag:s29], $0x500  }
0x65: {  	[sflag:s29] =	ssyncset.done $0x0  }
0x66: {  	s7 =	simm.s32 $0x2940;
	[sflag:s29] =	ssyncadd.s32 $0xFFFFFB00  }
0x67: {  	[spmem:s2] =	stream.indirect.scatter.add.f32 [tilespmem:s20], [sflag:$0x8], $0x10, s7, s16, $0xb8;
	[tilespmem:$0xB620] =	vst v63  }
0x68: {  	_ =	swait.ge [sflag:s31], $0x500  }
0x69: {  	[sflag:s31] =	ssyncset.done $0x0  }
0x6a: {  	s8 =	simm.s32 $0x2990;
	[sflag:s31] =	ssyncadd.s32 $0xFFFFFB00  }
0x6b: {  	[spmem:s2] =	stream.indirect.scatter.add.f32 [tilespmem:s22], [sflag:$0x9], $0x10, s8, s16, $0xb8;
	[tilespmem:$0xB620] =	vst v63  }
0x6c: {  	_ =	swait.ge [sflag:s0], $0x500  }
0x6d: {  	[sflag:s0] =	ssyncset.done $0x0  }
0x6e: {  	s5 =	simm.s32 $0x640;
	s7 =	simm.s32 $0x29E0;
	[sflag:s0] =	ssyncadd.s32 $0xFFFFFB00  }
.LBB2_2:
0x6f: {  	[spmem:s2] =	stream.indirect.scatter.add.f32 [tilespmem:s24], [sflag:$0xA], $0x10, s7, s16, $0xb8;
	[tilespmem:$0xB620] =	vst v63  }
0x70: {  	s7 =	smov.u32 s5  }
0x71: {  	p0 =	sne.s32 s5, $0x8FC0;
	s5 =	sadd.s32 $0x640, s5;
	_ =	swait.ge [sflag:s21], $0x500  }
0x72: {  	[sflag:s21] =	ssyncset.done $0x0  }
0x73: {  	[sflag:s21] =	ssyncadd.s32 $0xFFFFFB00  }
0x74: {  	_ =	swait.ge [sflag:s23], $0x500  }
0x75: {  	[sflag:s23] =	ssyncset.done $0x0  }
0x76: {  	[sflag:s23] =	ssyncadd.s32 $0xFFFFFB00  }
0x77: {  	_ =	swait.ge [sflag:s28], $0x500  }
0x78: {  	[sflag:s28] =	ssyncset.done $0x0  }
0x79: {  	[sflag:s28] =	ssyncadd.s32 $0xFFFFFB00  }
0x7a: {  	_ =	swait.ge [sflag:s30], $0x500  }
0x7b: {  	[sflag:s30] =	ssyncset.done $0x0  }
0x7c: {  	[sflag:s30] =	ssyncadd.s32 $0xFFFFFB00  }
0x7d: {  	_ =	swait.ge [sflag:s1], $0x500  }
0x7e: {  	s7 =	sshra.s32 s7, $0x2;
	[sflag:s1] =	ssyncset.done $0x0  }
0x7f: {  	s8 =	sadd.s32 $0x190, s7;
	[sflag:s1] =	ssyncadd.s32 $0xFFFFFB00  }
0x80: {  	[tilespmem:s17], [sflag:$0x1] =	stream.indirect.gather [spmem:s3], $0x10, s8, s16, $0xb8;
	[tilespmem:$0xB620] =	vst v63  }
0x81: {  	s8 =	sadd.s32 $0x1E0, s7  }
0x82: {  	[tilespmem:s18], [sflag:$0x2] =	stream.indirect.gather [spmem:s3], $0x10, s8, s16, $0xb8;
	[tilespmem:$0xB620] =	vst v63  }
0x83: {  	s8 =	sadd.s32 $0x230, s7  }
0x84: {  	[tilespmem:s20], [sflag:$0x3] =	stream.indirect.gather [spmem:s3], $0x10, s8, s16, $0xb8;
	[tilespmem:$0xB620] =	vst v63  }
0x85: {  	s8 =	sadd.s32 $0x280, s7  }
0x86: {  	[tilespmem:s22], [sflag:$0x4] =	stream.indirect.gather [spmem:s3], $0x10, s8, s16, $0xb8;
	[tilespmem:$0xB620] =	vst v63  }
0x87: {  	s8 =	sadd.s32 $0x2D0, s7  }
0x88: {  	[tilespmem:s24], [sflag:$0x5] =	stream.indirect.gather [spmem:s3], $0x10, s8, s16, $0xb8;
	[tilespmem:$0xB620] =	vst v63  }
0x89: {  	_ =	swait.ge [sflag:s25], $0x500  }
0x8a: {  	[sflag:s25] =	ssyncset.done $0x0  }
0x8b: {  	s8 =	sadd.s32 $0x28A0, s7;
	[sflag:s25] =	ssyncadd.s32 $0xFFFFFB00  }
0x8c: {  	[spmem:s2] =	stream.indirect.scatter.add.f32 [tilespmem:s17], [sflag:$0x6], $0x10, s8, s16, $0xb8;
	[tilespmem:$0xB620] =	vst v63  }
0x8d: {  	_ =	swait.ge [sflag:s26], $0x500  }
0x8e: {  	[sflag:s26] =	ssyncset.done $0x0  }
0x8f: {  	s8 =	sadd.s32 $0x28F0, s7;
	[sflag:s26] =	ssyncadd.s32 $0xFFFFFB00  }
0x90: {  	[spmem:s2] =	stream.indirect.scatter.add.f32 [tilespmem:s18], [sflag:$0x7], $0x10, s8, s16, $0xb8;
	[tilespmem:$0xB620] =	vst v63  }
0x91: {  	_ =	swait.ge [sflag:s29], $0x500  }
0x92: {  	[sflag:s29] =	ssyncset.done $0x0  }
0x93: {  	s8 =	sadd.s32 $0x2940, s7;
	[sflag:s29] =	ssyncadd.s32 $0xFFFFFB00  }
0x94: {  	[spmem:s2] =	stream.indirect.scatter.add.f32 [tilespmem:s20], [sflag:$0x8], $0x10, s8, s16, $0xb8;
	[tilespmem:$0xB620] =	vst v63  }
0x95: {  	_ =	swait.ge [sflag:s31], $0x500  }
0x96: {  	[sflag:s31] =	ssyncset.done $0x0  }
.Ltmp0:
0x97: {  	s8 =	sadd.s32 $0x2990, s7;
	[sflag:s31] =	ssyncadd.s32 $0xFFFFFB00;
	(pc) =	sbr.rel @p0 .LBB2_2-.Ltmp0, $4  }
0x98: {  	[spmem:s2] =	stream.indirect.scatter.add.f32 [tilespmem:s22], [sflag:$0x9], $0x10, s8, s16, $0xb8;
	[tilespmem:$0xB620] =	vst v63  }
0x99: {  	_ =	swait.ge [sflag:s0], $0x500  }
0x9a: {  	[sflag:s0] =	ssyncset.done $0x0  }
0x9b: {  	s7 =	sadd.s32 $0x29E0, s7;
	[sflag:s0] =	ssyncadd.s32 $0xFFFFFB00  }
0x9c: {  	[spmem:s2] =	stream.indirect.scatter.add.f32 [tilespmem:s24], [sflag:$0xA], $0x10, s7, s16, $0xb8;
	[tilespmem:$0xB620] =	vst v63  }
0x9d: {  	_ =	swait.ge [sflag:s21], $0x500  }
0x9e: {  	[sflag:s21] =	ssyncset.done $0x0  }
0x9f: {  	[sflag:s21] =	ssyncadd.s32 $0xFFFFFB00  }
0xa0: {  	_ =	swait.ge [sflag:s23], $0x500  }
0xa1: {  	[sflag:s23] =	ssyncset.done $0x0  }
0xa2: {  	[sflag:s23] =	ssyncadd.s32 $0xFFFFFB00  }
0xa3: {  	_ =	swait.ge [sflag:s28], $0x500  }
0xa4: {  	[sflag:s28] =	ssyncset.done $0x0  }
0xa5: {  	[sflag:s28] =	ssyncadd.s32 $0xFFFFFB00  }
0xa6: {  	_ =	swait.ge [sflag:s30], $0x500  }
0xa7: {  	[sflag:s30] =	ssyncset.done $0x0  }
0xa8: {  	[sflag:s30] =	ssyncadd.s32 $0xFFFFFB00  }
0xa9: {  	_ =	swait.ge [sflag:s1], $0x500  }
0xaa: {  	s19 =	sadd.s32 $0x1, s19;
	[sflag:s1] =	ssyncset.done $0x0  }
0xab: {  	p0 =	sne.s32 s19, s11;
	[sflag:s1] =	ssyncadd.s32 $0xFFFFFB00  }
.Ltmp1:
0xac: {  	[bflag:$0x0] =	sbarrier.arrive $0xFFFF;
	(pc) =	sbr.rel @p0 .LBB2_1-.Ltmp1, $4  }
0xad: {  	[hbm:s10], [sflag:s6] =	dma.local [spmem:s12], $0x4F0  }
0xae: {  	_ =	swait.ge [sflag:s13], $0x4F0  }
0xaf: {  	[sflag:s13] =	ssyncset.done $0x0  }
0xb0: {  	[sflag:s13] =	ssyncadd.s32 $0xFFFFFB10  }
0xb1: {  	_ =	sfence.sel $0x180000  }
0xb2: {  	[bflag:$0x0] =	sbarrier.arrive $0xFFFF  }
0xb3: {  	_ =	strace $0x9000004D  }
0xb4: {  	s0 =	stileid.u32;
	[bflag:$0x2] =	sbarrier.arrive $0xFFFF  }
0xb5: {  	p0 =	sne.s32 s0, $0x0;
	s0 =	rddreg [dreg:$0x4]  }
0xb6: {  	s0 =	sadd.s32 @!p0 $0x100000, s0  }
0xb7: {  	[sflag:s0] =	ssyncadd.tile.s32 @!p0 $0x1;
	_ =	shalt  }
.Lfunc_end2:
_tile_overlayer_lowered:
.L_overlay_start_2:
0xb8: {  	(tag) =	ssettag $0x2  }
0xb9: {  	s0 =	rddreg [dreg:$0x0];
	s2 =	stileid.u32  }
0xba: {  	s1 =	rddreg [dreg:$0x1];
	p0 =	sne.s32 s2, $0x0  }
0xbb: {  	s3 =	rddreg [dreg:$0x2];
	[bflag:$0x3] =	sbarrier.arrive $0xFFFF;
	s2 =	simm.s32 @!p0 $0x1C0B  }
0xbc: {  	[timem:s3], [sflag:s2] =	dma.local @!p0 [hbm:s0], s1  }
0xbd: {  	s0 =	simm.s32 @!p0 $0xB  }
0xbe: {  	_ =	swait.ge @!p0 [sflag:s0], s1  }
0xbf: {  	s1 =	ssub.s32 @!p0 $0x0, s1;
	[sflag:s0] =	ssyncset.done @!p0 $0x0  }
0xc0: {  	[sflag:s0] =	ssyncadd.s32 @!p0 s1  }
0xc1: {  	[bflag:$0x3] =	sbarrier.arrive $0xFFFF  }
0xc2: {  	_ =	shalt  }

// kernel: kernel.8.cloned.1.call-start
scs
__scs_entry_jumppad:
0x0: {  	(pc) =	sbr.rel $0x88, $3  }
0x1: {  	(tag) =	ssettag $0x0;
	lr =	simm.s32 $0x1  }
0x2: {  	[smem:$0x3F99] =	sst lr;
	_ =	strace $0xD0000000  }
0x3: {  	_ = 	snop  }
0x4: {  	_ = 	snop  }
0x5: {  	_ = 	snop  }
0x6: {  	_ = 	snop  }
0x7: {  	_ = 	snop  }
__scs_overlays_trampoline_lowered:
0x8: {  	[smem:$0x3FA8] =	sst s0  }
0x9: {  	[smem:$0x3FA9] =	sst s1  }
0xa: {  	[smem:$0x3FAA] =	sst s2  }
0xb: {  	[smem:$0x3FAB] =	sst s3  }
0xc: {  	[smem:$0x3FAC] =	sst s4  }
0xd: {  	[smem:$0x3FAD] =	sst s5  }
0xe: {  	[smem:$0x3FAE] =	sst s6  }
0xf: {  	[smem:$0x3FAF] =	sst s7  }
0x10: {  	[smem:$0x3FB0] =	sst s8  }
0x11: {  	[smem:$0x3FB1] =	sst s9;
	s0 =	simm.s32 @!p0 $0x0  }
0x12: {  	s1 =	sld [smem:$0x3F97];
	s0 =	simm.s32 @p0 $0x1  }
0x13: {  	[smem:$0x3FB2] =	sst s0;
	s0 =	simm.s32 @!p1 $0x0  }
0x14: {  	s2 =	sld [smem:$0x3F96];
	s0 =	simm.s32 @p1 $0x1  }
0x15: {  	[smem:$0x3FB3] =	sst s0;
	s0 =	simm.s32 @!p2 $0x0  }
0x16: {  	s3 =	sld [smem:$0x3FDB];
	s0 =	simm.s32 @p2 $0x1  }
0x17: {  	s4 =	simm.s32 $0x1BF5;
	[smem:$0x3FB5] =	sst s0  }
0x18: {  	s0 =	sld [smem:$0x3F98];
	_ =	swait.ge [sflag:s4], $0x0  }
0x19: {  	s7 =	sld [smem:$0x3F99]  }
0x1a: {  	s8 =	sadd.s32 $0xFFFFE003, lr  }
0x1b: {  	s9 =	sadd.s32 $0xFFFFFEF7, lr;
	s5 =	simm.s32 $0xFFFFFFFF;
	p2 =	slt.u32 s8, $0xFFFFF086  }
0x1c: {  	p1 =	slt.u32 s9, $0xF7A;
	s5 =	simm.s32 @!p2 $0x0  }
0x1d: {  	s5 =	simm.s32 @p1 $0x1;
	p0 =	seq.s32 s7, s2  }
0x1e: {  	s7 =	smul.u32 @!p0 $0xF7A, s2;
	p2 =	seq.s32 @!p0 s5, $0x0  }
0x1f: {  	s9 =	smul.u32 $0xF7A, s1;
	s8 =	simm.s32 @!p0 $0x1BF5;
	p2 =	por !p2, p0  }
0x20: {  	[sflag:s8] =	ssyncset.s32 @!p0 $0xFFFFF086;
	s6 =	sadd.s32 @!p0 s3, s7;
	s7 =	simm.s32 @!p0 $0x108  }
0x21: {  	s3 =	sadd.s32 s3, s9;
	s6 =	sadd.s32 @!p0 $0x88, s6;
	s7 =	simm.s32 @p2 $0x1082  }
0x22: {  	[simem:s7], [sflag:s8] =	dma.local @!p0 [hbm:s6], $0xF7A  }
0x23: {  	s9 =	sor.u32 $0xD0000000, s2;
	s6 =	simm.s32 $0x108;
	_ =	swait.ge @!p0 [sflag:s8], $0x0  }
0x24: {  	s3 =	sadd.s32 $0x88, s3;
	s6 =	simm.s32 @!p1 $0x1082;
	[sflag:s4] =	ssyncset.s32 $0xFFFFF086  }
0x25: {  	[simem:s6], [sflag:s4] =	dma.local [hbm:s3], $0xF7A  }
0x26: {  	[smem:$0x3F99] =	sst s1;
	(tag) =	ssettag s2;
	_ =	strace s9  }
0x27: {  	s1 =	sld [smem:$0x3FA9]  }
0x28: {  	s2 =	sld [smem:$0x3FAA]  }
0x29: {  	s4 =	sld [smem:$0x3FAC]  }
0x2a: {  	p0 =	seq.s32 s5, $0x0;
	s5 =	sld [smem:$0x3FAD]  }
0x2b: {  	s6 =	sld [smem:$0x3FAE]  }
0x2c: {  	s7 =	sld [smem:$0x3FAF]  }
0x2d: {  	s3 =	simm.s32 $0x108;
	s8 =	sld [smem:$0x3FB0]  }
0x2e: {  	s3 =	simm.s32 @!p0 $0x1082;
	s9 =	sld [smem:$0x3FB1]  }
0x2f: {  	lr =	sadd.s32 s0, s3;
	s0 =	sld [smem:$0x3FA8]  }
0x30: {  	s3 =	sld [smem:$0x3FAB]  }
0x31: {  	[smem:$0x3FB4] =	sst s10  }
0x32: {  	s10 =	sld [smem:$0x3FB2];
	_ =	sdelay $0x3  }
0x33: {  	p0 =	seq.s32 s10, $0x1;
	s10 =	sld [smem:$0x3FB4];
	_ =	sdelay $0x3  }
0x34: {  	[smem:$0x3FB4] =	sst s10  }
0x35: {  	s10 =	sld [smem:$0x3FB3];
	_ =	sdelay $0x3  }
0x36: {  	p1 =	seq.s32 s10, $0x1;
	s10 =	sld [smem:$0x3FB4];
	_ =	sdelay $0x3  }
0x37: {  	[smem:$0x3FB4] =	sst s10  }
0x38: {  	s10 =	sld [smem:$0x3FB5]  }
0x39: {  	_ = 	snop;
	(pc) =	sbr.ind lr, $3  }
0x3a: {  	_ = 	snop  }
0x3b: {  	_ = 	snop  }
0x3c: {  	p2 =	seq.s32 s10, $0x1;
	s10 =	sld [smem:$0x3FB4]  }
0x3d: {  	_ =	shalt  }
0x3e: {  	_ =	shalt  }
0x3f: {  	_ =	shalt  }
0x40: {  	_ =	shalt  }
0x41: {  	_ =	shalt  }
0x42: {  	_ =	shalt  }
0x43: {  	_ =	shalt  }
0x44: {  	_ =	shalt  }
0x45: {  	_ =	shalt  }
0x46: {  	_ =	shalt  }
0x47: {  	_ =	shalt  }
0x48: {  	_ =	shalt  }
0x49: {  	_ =	shalt  }
0x4a: {  	_ =	shalt  }
0x4b: {  	_ =	shalt  }
0x4c: {  	_ =	shalt  }
0x4d: {  	_ =	shalt  }
0x4e: {  	_ =	shalt  }
0x4f: {  	_ =	shalt  }
0x50: {  	_ =	shalt  }
0x51: {  	_ =	shalt  }
0x52: {  	_ =	shalt  }
0x53: {  	_ =	shalt  }
0x54: {  	_ =	shalt  }
0x55: {  	_ =	shalt  }
0x56: {  	_ =	shalt  }
0x57: {  	_ =	shalt  }
0x58: {  	_ =	shalt  }
0x59: {  	_ =	shalt  }
0x5a: {  	_ =	shalt  }
0x5b: {  	_ =	shalt  }
0x5c: {  	_ =	shalt  }
0x5d: {  	_ =	shalt  }
0x5e: {  	_ =	shalt  }
0x5f: {  	_ =	shalt  }
0x60: {  	_ =	shalt  }
0x61: {  	_ =	shalt  }
0x62: {  	_ =	shalt  }
0x63: {  	_ =	shalt  }
0x64: {  	_ =	shalt  }
0x65: {  	_ =	shalt  }
0x66: {  	_ =	shalt  }
0x67: {  	_ =	shalt  }
0x68: {  	_ =	shalt  }
0x69: {  	_ =	shalt  }
0x6a: {  	_ =	shalt  }
0x6b: {  	_ =	shalt  }
0x6c: {  	_ =	shalt  }
0x6d: {  	_ =	shalt  }
0x6e: {  	_ =	shalt  }
0x6f: {  	_ =	shalt  }
0x70: {  	_ =	shalt  }
0x71: {  	_ =	shalt  }
0x72: {  	_ =	shalt  }
0x73: {  	_ =	shalt  }
0x74: {  	_ =	shalt  }
0x75: {  	_ =	shalt  }
0x76: {  	_ =	shalt  }
0x77: {  	_ =	shalt  }
0x78: {  	_ =	shalt  }
0x79: {  	_ =	shalt  }
0x7a: {  	_ =	shalt  }
0x7b: {  	_ =	shalt  }
0x7c: {  	_ =	shalt  }
0x7d: {  	_ =	shalt  }
0x7e: {  	_ =	shalt  }
0x7f: {  	_ =	shalt  }
0x80: {  	_ =	shalt  }
0x81: {  	_ =	shalt  }
0x82: {  	_ =	shalt  }
0x83: {  	_ =	shalt  }
0x84: {  	_ =	shalt  }
0x85: {  	_ =	shalt  }
0x86: {  	_ =	shalt  }
0x87: {  	_ =	shalt  }
.Lfunc_end0:
.L_simem_size_0:
called_computation_lowered:
.L_overlay_start_0:
0x88: {  	s2 =	sld [smem:$0x3FD9]  }
0x89: {  	s3 =	sld [smem:$0x3FFE];
	_ =	sdelay $0x1  }
0x8a: {  	s1 =	srdreg.scid  }
0x8b: {  	s0 =	sand.u32 $0x1, s1  }
0x8c: {  	s17 =	sshll.u32 s0, $0xA;
	s2 =	sadd.s32 s3, s2  }
0x8d: {  	s2 =	sadd.s32 s2, s17  }
0x8e: {  	[smem:$0x3FC0] =	sst s2  }
0x8f: {  	_ = 	snop  }
0x90: {  	s2 =	sld [smem:$0x3FD0];
	(tm) =	ssettm $0x1  }
0x91: {  	s18 =	sld [smem:$0x3FFB];
	_ =	sdelay $0x3  }
0x92: {  	_ =	strace s18  }
0x93: {  	s3 =	sld [smem:$0x3FFC];
	_ =	sdelay $0x3  }
0x94: {  	_ =	strace s3  }
0x95: {  	s3 =	sld [smem:$0x3FFD];
	_ =	sdelay $0x3  }
0x96: {  	_ =	strace s3  }
0x97: {  	_ =	strace $0x8FFFFFFF  }
0x98: {  	s19 =	sld [smem:$0x3FDB];
	_ =	sdelay $0x1  }
0x99: {  	s4 =	simm.s32 $_scs_section_size  }
0x9a: {  	s5 =	simm.s32 $_size__tile_overlayer_lowered;
	s6 =	simm.s32 $_tile_overlayer_lowered  }
0x9b: {  	s22 =	simm.s32 $0x1BFF;
	s21 =	sshll.u32 s6, $0x1;
	s3 =	sadd.s32 s4, s19  }
0x9c: {  	s7 =	simm.s32 $0x0;
	s20 =	sshll.u32 s5, $0x1;
	s5 =	sadd.s32 s21, s3  }
0x9d: {  	[timem:s7], [sflag:s22] =	dma.local [hbm:s5], s20  }
0x9e: {  	_ =	swait.ge [sflag:s22], s20  }
0x9f: {  	s4 =	ssub.s32 $0x0, s20;
	[sflag:s22] =	ssyncset.done $0x0  }
0xa0: {  	[sflag:s22] =	ssyncadd.s32 s4;
	_ =	sdelay $0x1  }
0xa1: {  	s23 =	simm.s32 $0x1B8B  }
0xa2: {  	_ =	swait.ge [sflag:s23], $0x1  }
0xa3: {  	[sflag:s23] =	ssyncset.done $0x0  }
0xa4: {  	s25 =	simm.s32 $0x1B8E;
	s24 =	sld [smem:$0x3FFE];
	[sflag:s23] =	ssyncadd.s32 $0xFFFFFFFF  }
0xa5: {  	s26 =	simm.s32 $execute0_lowered;
	[smem:$0x3FD2] =	sst s25  }
0xa6: {  	s5 =	sshll.u32 s26, $0x1;
	_ =	strace $0x80000046;
	[dreg:$0x1] =	wrdreg $0xFFFFFFFF  }
0xa7: {  	s28 =	simm.s32 $_size_execute0_lowered;
	s3 =	sadd.s32 s3, s5;
	[dreg:$0x0] =	wrdreg $0x0  }
0xa8: {  	s5 =	sshll.u32 s28, $0x1;
	[dreg:$0x2] =	wrdreg s3  }
0xa9: {  	[dreg:$0x3] =	wrdreg s5  }
0xaa: {  	[dreg:$0x4] =	wrdreg $0xC0  }
0xab: {  	_ =	task [dreg:s7], $0x5FFFF  }
0xac: {  	[dreg:$0x1] =	wrdreg $0xFFFFFFFF  }
0xad: {  	[dreg:$0x0] =	wrdreg $0x60  }
0xae: {  	[dreg:$0x2] =	wrdreg s24  }
0xaf: {  	[dreg:$0x3] =	wrdreg s2  }
0xb0: {  	[dreg:$0x4] =	wrdreg $0x29900  }
0xb1: {  	[dreg:$0x5] =	wrdreg $0x9  }
0xb2: {  	_ =	task.clear_ibuf [dreg:s7], $0x6FFFF;
	_ =	strace $0x90000046  }
0xb3: {  	s29 =	simm.s32 $0x9;
	_ =	strace $0x80000048  }
0xb4: {  	_ =	swait.ge [sflag:s29], $0x1  }
0xb5: {  	[sflag:s29] =	ssyncadd.s32 $0xFFFFFFFF  }
0xb6: {  	_ =	strace $0x90000048  }
0xb7: {  	_ =	sfence  }
0xb8: {  	s30 =	sld [smem:$0x0];
	_ =	sdelay $0x2  }
0xb9: {  	s31 =	sshll.u32 s1, $0xD;
	s1 =	sshrl.u32 s1, $0x2  }
0xba: {  	s3 =	sand.u32 $0x4000, s31;
	s1 =	sadd.s32 s1, s30  }
0xbb: {  	s0 =	sor.u32 s3, s0;
	s1 =	sshll.u32 s1, $0x11  }
0xbc: {  	s0 =	sor.u32 s1, s0  }
0xbd: {  	s0 =	sadd.s32 $0x8F2B, s0  }
0xbe: {  	[sflag:s0] =	ssyncadd.remote.s32 $0x1  }
0xbf: {  	_ =	sfence.sel $0xFFFF  }
0xc0: {  	[dreg:$0x0] =	wrdreg $0xFFFFFFFF;
	(pc) =	sbr.abs _section_cstart, $3  }
0xc1: {  	[dreg:$0x1] =	wrdreg $0xFFFFFFFF  }
0xc2: {  	_ =	task.clear_ibuf [dreg:s7], $0x2FFFF;
	_ =	strace $0x9FFFFFFF  }
0xc3: {  	(tm) =	ssettm $0x7FFFFFFF  }
tec
execute0_lowered:
.L_overlay_start_1:
0x0: {  	(tag) =	ssettag $0x1  }
0x1: {  	s7 =	rddreg [dreg:$0x0]  }
0x2: {  	s8 =	rddreg [dreg:$0x1]  }
0x3: {  	s2 =	rddreg [dreg:$0x2]  }
0x4: {  	s0 =	rddreg [dreg:$0x3];
	s4 =	srdreg.scid  }
0x5: {  	s3 =	simm.s32 $0x0;
	s1 =	stileid.u32;
	s14 =	simm.s32 $0x1  }
0x6: {  	s15 =	simm.s32 $0x0;
	s5 =	sand.u32 $0x1, s4;
	[smem:$0x7FF] =	sst s3  }
0x7: {  	s6 =	smul.u32 $0x13C0, s1;
	s4 =	sadd.s32 $0x17200, s7;
	s30 =	sshll.u32 s1, $0x6  }
0x8: {  	s9 =	sshll.u32 s5, $0x4;
	_ =	strace $0x80000047;
	s11 =	ssub.s32 $0x2, s5  }
0x9: {  	s13 =	smul.u32 $0x13C00, s5;
	s9 =	sor.u32 s1, s9;
	s10 =	sshrl.u32 s6, $0x3  }
0xa: {  	s12 =	sshrl.u32 s11, $0x1;
	s29 =	sadd.s32 s6, s2;
	s9 =	smul.u32 $0x2710, s9  }
0xb: {  	s10 =	sadd.s32 s10, s7;
	s11 =	ssub.s32 s11, s12;
	s13 =	sadd.s32 s6, s13  }
0xc: {  	s6 =	sor.u32 $0x1C02, s30;
	s12 =	simm.s32 $0x2710;
	s5 =	sadd.s32 $0x17400, s10  }
0xd: {  	s31 =	sshrl.u32 s13, $0x3;
	s10 =	sshrl.u32 s29, $0x3;
	s9 =	sshrl.u32 s9, $0x3  }
0xe: {  	s13 =	simm.s32 $0x50;
	s8 =	sadd.s32 s8, s31;
	s7 =	sadd.s32 s7, s9  }
0xf: {  	s9 =	smax.u32 s11, $0x1;
	s11 =	simm.s32 $0x2;
	s7 =	sadd.s32 $0xD440, s7  }
.LBB2_1:
0x10: {  	[spmem:s10], [sflag:s6] =	dma.local [hbm:s5], $0x278  }
0x11: {  	_ =	swait.ge [sflag:s11], $0x278  }
0x12: {  	[sflag:s11] =	ssyncset.done $0x0  }
0x13: {  	[sflag:s11] =	ssyncadd.s32 $0xFFFFFD88  }
0x14: {  	[tilespmem:s3], [sflag:$0x2] =	stream.linear.gather [hbm4b:s7+s3], $0x2710, $0x38;
	[tilespmem:$0x3D50] =	vst v63  }
0x15: {  	_ =	swait.ge [sflag:s11], $0x2710  }
0x16: {  	[sflag:s11] =	ssyncset.done $0x0  }
0x17: {  	[sflag:s11] =	ssyncadd.s32 $0xFFFFD8F0  }
0x18: {  	[tilespmem:s12], [sflag:$0x2] =	stream.linear.gather [hbm4b:s4+s3], $0x280, $0x38;
	[tilespmem:$0x3D50] =	vst v63  }
0x19: {  	_ =	swait.ge [sflag:s11], $0x280  }
0x1a: {  	[sflag:s11] =	ssyncset.done $0x0  }
0x1b: {  	[sflag:s11] =	ssyncadd.s32 $0xFFFFFD80  }
0x1c: {  	s16 =	simm.s32 $0x0;
	[bflag:$0x0] =	sbarrier.arrive $0xFFFF  }
.LBB2_2:
0x1d: {  	p0 =	sne.s32 s16, $0x9B00  }
.Ltmp0:
0x1e: {  	_ = 	snop;
	(pc) =	sbr.rel @p0 .LBB2_2-.Ltmp0, $3  }
0x1f: {  	_ =	sdelay $0x1  }
0x20: {  	s17 =	sshra.s32 s16, $0x2;
	s16 =	sadd.s32 $0x140, s16  }
0x21: {  	[spmem:s2] =	stream.indirect.scatter.add.f32 [tilespmem:s12], [sflag:$0x1], $0x8, s17, s13, $0xb8;
	[tilespmem:$0x3D50] =	vst v63  }
0x22: {  	_ =	swait.ge [sflag:s14], $0x280  }
0x23: {  	s16 =	simm.s32 $0x7C;
	[sflag:s14] =	ssyncset.done $0x0  }
.LBB2_4:
0x24: {  	p0 =	sne.s32 s16, $0x1;
	s16 =	sadd.s32 $0xFFFFFFFF, s16;
	[sflag:s14] =	ssyncadd.s32 $0xFFFFFD80  }
.Ltmp1:
0x25: {  	(pc) =	sbr.rel @p0 .LBB2_4-.Ltmp1, $3  }
0x26: {  	_ =	sdelay $0x1  }
0x27: {  	_ =	swait.ge [sflag:s14], $0x280  }
0x28: {  	[sflag:s14] =	ssyncset.done $0x0  }
0x29: {  	s15 =	sadd.s32 $0x1, s15  }
0x2a: {  	[sflag:s14] =	ssyncadd.s32 $0xFFFFFD80;
	p0 =	sne.s32 s15, s9  }
.Ltmp2:
0x2b: {  	[bflag:$0x0] =	sbarrier.arrive $0xFFFF;
	(pc) =	sbr.rel @p0 .LBB2_1-.Ltmp2, $4  }
0x2c: {  	[hbm:s8], [sflag:s6] =	dma.local [spmem:s10], $0x278  }
0x2d: {  	_ =	swait.ge [sflag:s11], $0x278  }
0x2e: {  	[sflag:s11] =	ssyncset.done $0x0  }
0x2f: {  	[sflag:s11] =	ssyncadd.s32 $0xFFFFFD88  }
0x30: {  	_ =	sfence.sel $0x180000  }
0x31: {  	[bflag:$0x0] =	sbarrier.arrive $0xFFFF  }
0x32: {  	p0 =	sne.s32 s1, $0x0;
	_ =	strace $0x90000047  }
0x33: {  	s0 =	sadd.s32 @!p0 $0x100000, s0;
	[bflag:$0x2] =	sbarrier.arrive $0xFFFF  }
0x34: {  	[sflag:s0] =	ssyncadd.tile.s32 @!p0 $0x1;
	_ =	shalt  }
.Lfunc_end2:
_tile_overlayer_lowered:
.L_overlay_start_2:
0x35: {  	(tag) =	ssettag $0x2  }
0x36: {  	s0 =	rddreg [dreg:$0x0];
	s2 =	stileid.u32  }
0x37: {  	s1 =	rddreg [dreg:$0x1];
	p0 =	sne.s32 s2, $0x0  }
0x38: {  	s3 =	rddreg [dreg:$0x2];
	[bflag:$0x3] =	sbarrier.arrive $0xFFFF;
	s2 =	simm.s32 @!p0 $0x1C02  }
0x39: {  	[timem:s3], [sflag:s2] =	dma.local @!p0 [hbm:s0], s1  }
0x3a: {  	s0 =	simm.s32 @!p0 $0x2  }
0x3b: {  	_ =	swait.ge @!p0 [sflag:s0], s1  }
0x3c: {  	s1 =	ssub.s32 @!p0 $0x0, s1;
	[sflag:s0] =	ssyncset.done @!p0 $0x0  }
0x3d: {  	[sflag:s0] =	ssyncadd.s32 @!p0 s1  }
0x3e: {  	[bflag:$0x3] =	sbarrier.arrive $0xFFFF  }
0x3f: {  	_ =	shalt  }

</sc_bundles>
